<compile_context>
chip_gen: v7x
topology: tpu7x:2x2x1
jax: 0.10.2.dev20260603
libtpu: 0.0.44.dev20260713+nightly
codegen_flags: <defaults>
</compile_context>

<pallas_src>
import functools

import jax
import jax.numpy as jnp
from jax import lax
from jax.experimental import pallas as pl
from jax.experimental.pallas import tpu as pltpu
from jax.experimental.pallas import tpu_sc as plsc

N_NODES = 10000
N_EDGES = 320000
D = 128

NC = 2
NS = 16
NW = NC * NS
CHUNK = 80
NCH = 125
EPW = NCH * CHUNK
N_ACC = N_NODES
ROWS_PER_SUB = 624
TAIL_BASE = NS * ROWS_PER_SUB
TAIL = N_NODES - TAIL_BASE

_mesh = plsc.VectorSubcoreMesh(core_axis_name="c", subcore_axis_name="s")


@functools.partial(
    pl.kernel,
    mesh=_mesh,
    out_type=jax.ShapeDtypeStruct((2, N_NODES, D), jnp.float32),
    scratch_types=[
        pltpu.VMEM((EPW,), jnp.int32),
        pltpu.VMEM((EPW,), jnp.int32),
        pltpu.VMEM((CHUNK, D), jnp.float32),
        pltpu.VMEM((CHUNK, D), jnp.float32),
        pltpu.VMEM((CHUNK, D), jnp.float32),
        pltpu.VMEM_SHARED((N_ACC, D), jnp.float32),
        pltpu.SemaphoreType.DMA,
        pltpu.SemaphoreType.DMA,
        pltpu.SemaphoreType.DMA,
    ],
)
def _edge_agg(src_hbm, dst_hbm, h_hbm, out_hbm, sidx, didx, rows0, rows1,
              rows2, acc, semg0, semg1, semg2):
    cid = lax.axis_index("c")
    sid = lax.axis_index("s")
    wid = cid * NS + sid
    ebase = wid * EPW

    rowsb = (rows0, rows1, rows2)
    semg = (semg0, semg1, semg2)

    def _chunk(ref, i):
        return ref.at[pl.ds(pl.multiple_of(i * CHUNK, 8), CHUNK)]

    def _g_fire(i, b):
        pltpu.async_copy(h_hbm.at[_chunk(sidx, i)], rowsb[b], semg[b])

    def _g_wait(b):
        pltpu.make_async_copy(h_hbm.at[_chunk(sidx, 0)], rowsb[b],
                              semg[b]).wait()

    base = sid * ROWS_PER_SUB
    pltpu.async_copy(src_hbm.at[pl.ds(ebase, EPW)], sidx, semg0)
    pltpu.async_copy(dst_hbm.at[pl.ds(ebase, EPW)], didx, semg1)
    pltpu.async_copy(h_hbm.at[pl.ds(base, ROWS_PER_SUB)],
                     acc.at[pl.ds(base, ROWS_PER_SUB)], semg2)
    pltpu.make_async_copy(src_hbm.at[pl.ds(ebase, EPW)], sidx,
                          semg0).wait()
    _g_fire(0, 0)

    @pl.when(sid == NS - 1)
    def _():
        pltpu.sync_copy(h_hbm.at[pl.ds(TAIL_BASE, TAIL)],
                        acc.at[pl.ds(TAIL_BASE, TAIL)])

    pltpu.make_async_copy(dst_hbm.at[pl.ds(ebase, EPW)], didx,
                          semg1).wait()
    _g_fire(1, 1)
    pltpu.make_async_copy(h_hbm.at[pl.ds(base, ROWS_PER_SUB)],
                          acc.at[pl.ds(base, ROWS_PER_SUB)], semg2).wait()
    _g_fire(2, 2)

    plsc.subcore_barrier()

    def body(j, carry):
        c0 = 3 * j
        for k in range(3):
            i = c0 + k
            _g_wait(k)
            pltpu.sync_copy(rowsb[k], acc.at[_chunk(didx, i)], add=True)

            @pl.when(i + 3 < NCH)
            def _():
                _g_fire(i + 3, k)

        return carry

    lax.fori_loop(0, NCH // 3, body, 0)
    _g_wait(0)
    pltpu.sync_copy(rows0, acc.at[_chunk(didx, NCH - 2)], add=True)
    _g_wait(1)
    pltpu.sync_copy(rows1, acc.at[_chunk(didx, NCH - 1)], add=True)

    plsc.subcore_barrier()
    pltpu.sync_copy(acc.at[pl.ds(base, ROWS_PER_SUB)],
                    out_hbm.at[cid, pl.ds(base, ROWS_PER_SUB)])

    @pl.when(sid == NS - 1)
    def _():
        pltpu.sync_copy(acc.at[pl.ds(TAIL_BASE, TAIL)],
                        out_hbm.at[cid, pl.ds(TAIL_BASE, TAIL)])


_BLK = 1000
_GRID = N_NODES // _BLK


def _mm(x, W, b):
    def body(x_ref, w_ref, b_ref, o_ref):
        o_ref[...] = jnp.dot(x_ref[...], w_ref[...],
                             preferred_element_type=jnp.float32) + b_ref[...]

    return pl.pallas_call(
        body,
        grid=(_GRID,),
        in_specs=[pl.BlockSpec((_BLK, D), lambda i: (i, 0)),
                  pl.BlockSpec((D, D), lambda i: (0, 0)),
                  pl.BlockSpec((1, D), lambda i: (0, 0))],
        out_specs=pl.BlockSpec((_BLK, D), lambda i: (i, 0)),
        out_shape=jax.ShapeDtypeStruct((N_NODES, D), jnp.float32),
    )(x, W, b.reshape(1, D))


def _combine_mm(p0, p1, h, W, b):
    def body(p0_ref, p1_ref, h_ref, w_ref, b_ref, o_ref):
        z = jnp.maximum(p0_ref[...] + p1_ref[...] - h_ref[...], 0.0)
        o_ref[...] = jnp.dot(z, w_ref[...],
                             preferred_element_type=jnp.float32) + b_ref[...]

    return pl.pallas_call(
        body,
        grid=(_GRID,),
        in_specs=[pl.BlockSpec((_BLK, D), lambda i: (i, 0)),
                  pl.BlockSpec((_BLK, D), lambda i: (i, 0)),
                  pl.BlockSpec((_BLK, D), lambda i: (i, 0)),
                  pl.BlockSpec((D, D), lambda i: (0, 0)),
                  pl.BlockSpec((1, D), lambda i: (0, 0))],
        out_specs=pl.BlockSpec((_BLK, D), lambda i: (i, 0)),
        out_shape=jax.ShapeDtypeStruct((N_NODES, D), jnp.float32),
    )(p0, p1, h, W, b.reshape(1, D))


def _combine_relu(p0, p1, h):
    def body(p0_ref, p1_ref, h_ref, o_ref):
        o_ref[...] = jnp.maximum(p0_ref[...] + p1_ref[...] - h_ref[...], 0.0)

    return pl.pallas_call(
        body,
        grid=(_GRID,),
        in_specs=[pl.BlockSpec((_BLK, D), lambda i: (i, 0)),
                  pl.BlockSpec((_BLK, D), lambda i: (i, 0)),
                  pl.BlockSpec((_BLK, D), lambda i: (i, 0))],
        out_specs=pl.BlockSpec((_BLK, D), lambda i: (i, 0)),
        out_shape=jax.ShapeDtypeStruct((N_NODES, D), jnp.float32),
    )(p0, p1, h)


def kernel(edge_index, node_feats, W1, b1, W2, b2):
    src = edge_index[0].astype(jnp.int32)
    dst = edge_index[1].astype(jnp.int32)
    h1 = _mm(node_feats, W1, b1)
    p = _edge_agg(src, dst, h1)
    h2 = _combine_mm(p[0], p[1], h1, W2, b2)
    q = _edge_agg(src, dst, h2)
    return _combine_relu(q[0], q[1], h2)

# --- scband reference (transcript-rebuilt; emitter-appended) ---
"""Pipeline reference for scband-gcns-50027779064033 (READ-ONLY COPY).

The authoritative reference and input builder live on the scoring server;
editing this copy changes nothing except your own understanding.
"""

import jax, jax.numpy as jnp
import numpy as np

N_NODES = 10000
N_EDGES = 320000
D_FEAT = 128


def setup_inputs(seed: int = 0) -> dict:
    key = jax.random.key(seed)
    k1, k2, k3, k4, k5, k6 = jax.random.split(key, 6)
    node_feats = jax.random.normal(k1, (N_NODES, D_FEAT), dtype=jnp.float32)
    edge_index = jax.random.randint(k2, (2, N_EDGES), 0, N_NODES, dtype=jnp.int64)
    s = 1.0 / np.sqrt(D_FEAT)
    W1 = jax.random.uniform(k3, (D_FEAT, D_FEAT), dtype=jnp.float32, minval=-s, maxval=s)
    b1 = jax.random.uniform(k4, (D_FEAT,), dtype=jnp.float32, minval=-s, maxval=s)
    W2 = jax.random.uniform(k5, (D_FEAT, D_FEAT), dtype=jnp.float32, minval=-s, maxval=s)
    b2 = jax.random.uniform(k6, (D_FEAT,), dtype=jnp.float32, minval=-s, maxval=s)
    return {"edge_index": edge_index, "node_feats": node_feats, "W1": W1, "b1": b1, "W2": W2, "b2": b2}


def _gcn_layer(x, W, b, src, dst, n_nodes):
    # h = Linear(x)
    h = x @ W + b
    # graph.update_all(copy_u('h','m'), sum('m','h')) on graph with self-loops:
    # neighbor-sum via scatter-add over edges, plus h itself for the self-loop.
    agg = jax.ops.segment_sum(h[src], dst, num_segments=n_nodes) + h
    # activation = relu; dropout(p=0.0) is identity; no batch_norm, no residual.
    return jax.nn.relu(agg)


def reference(edge_index, node_feats, W1, b1, W2, b2):
    src = edge_index[0]
    dst = edge_index[1]
    n_nodes = node_feats.shape[0]
    h = _gcn_layer(node_feats, W1, b1, src, dst, n_nodes)
    h = _gcn_layer(h, W2, b2, src, dst, n_nodes)
    return h

if __name__ == "__main__":
    import jax
    _d = setup_inputs()
    print(jax.jit(kernel)(*tuple(_d.values())))

</pallas_src>

<mosaic_0001>
#map = affine_map<(d0, d1) -> (0)>
#map1 = affine_map<(d0, d1) -> (0, 0)>
#map2 = affine_map<(d0, d1) -> (0, 0, 0)>
module attributes {stable_mosaic.version = 14 : i64} {
  func.func @_edge_agg(%arg0: i32, %arg1: i32, %arg2: memref<320000xi32, #tpu.memory_space<hbm>>, %arg3: memref<320000xi32, #tpu.memory_space<hbm>>, %arg4: memref<10000x128xf32, #tpu.memory_space<hbm>>, %arg5: memref<2x10000x128xf32, #tpu.memory_space<hbm>>, %arg6: memref<10000xi32, #tpu.memory_space<vmem>>, %arg7: memref<10000xi32, #tpu.memory_space<vmem>>, %arg8: memref<80x128xf32, #tpu.memory_space<vmem>>, %arg9: memref<80x128xf32, #tpu.memory_space<vmem>>, %arg10: memref<80x128xf32, #tpu.memory_space<vmem>>, %arg11: memref<10000x128xf32, #tpu.memory_space<vmem_shared>>, %arg12: memref<!tpu.dma_semaphore, #tpu.memory_space<semaphore_mem>>, %arg13: memref<!tpu.dma_semaphore, #tpu.memory_space<semaphore_mem>>, %arg14: memref<!tpu.dma_semaphore, #tpu.memory_space<semaphore_mem>>) attributes {dimension_semantics = [#tpu.dimension_semantics<core_parallel>, #tpu.dimension_semantics<subcore_parallel>], iteration_bounds = array<i64: 2, 16>, scalar_prefetch = 0 : i64, scratch_operands = 9 : i64, tpu.core_type = #tpu.core_type<sc_vector_subcore>, window_params = [{transform_indices = #map}, {transform_indices = #map}, {transform_indices = #map1}, {transform_indices = #map2}]} {
    %mul3A = arith.constant 16 : i32
    %mul3A_0 = arith.muli %arg0, %mul3A : i32
    %add3A = arith.addi %mul3A_0, %arg1 : i32
    %mul3A_1 = arith.constant 10000 : i32
    %mul3A_2 = arith.muli %add3A, %mul3A_1 : i32
    %mul3A_3 = arith.constant 624 : i32
    %mul3A_4 = arith.muli %arg1, %mul3A_3 : i32
    %dma_start3A = tpu.memref_slice %arg2[%mul3A_2] : memref<320000xi32, #tpu.memory_space<hbm>> -> memref<10000xi32, #tpu.memory_space<hbm>>
    %dma_start3A_5 = tpu.memref_slice %arg2[%mul3A_2] : memref<320000xi32, #tpu.memory_space<hbm>> -> memref<10000xi32, #tpu.memory_space<hbm>>
    tpu.enqueue_dma source(%dma_start3A_5 : memref<10000xi32, #tpu.memory_space<hbm>>) target(%arg6 : memref<10000xi32, #tpu.memory_space<vmem>>) target_semaphore(%arg12 : memref<!tpu.dma_semaphore, #tpu.memory_space<semaphore_mem>>)
    %dma_start3A_6 = tpu.memref_slice %arg3[%mul3A_2] : memref<320000xi32, #tpu.memory_space<hbm>> -> memref<10000xi32, #tpu.memory_space<hbm>>
    %dma_start3A_7 = tpu.memref_slice %arg3[%mul3A_2] : memref<320000xi32, #tpu.memory_space<hbm>> -> memref<10000xi32, #tpu.memory_space<hbm>>
    tpu.enqueue_dma source(%dma_start3A_7 : memref<10000xi32, #tpu.memory_space<hbm>>) target(%arg7 : memref<10000xi32, #tpu.memory_space<vmem>>) target_semaphore(%arg13 : memref<!tpu.dma_semaphore, #tpu.memory_space<semaphore_mem>>)
    %dma_start3A_8 = arith.constant 0 : i32
    %dma_start3A_9 = tpu.memref_slice %arg11[%mul3A_4, %dma_start3A_8] : memref<10000x128xf32, #tpu.memory_space<vmem_shared>> -> memref<624x128xf32, #tpu.memory_space<vmem_shared>>
    %dma_start3A_10 = arith.constant 0 : i32
    %dma_start3A_11 = tpu.memref_slice %arg4[%mul3A_4, %dma_start3A_10] : memref<10000x128xf32, #tpu.memory_space<hbm>> -> memref<624x128xf32, #tpu.memory_space<hbm>>
    tpu.enqueue_dma source(%dma_start3A_11 : memref<624x128xf32, #tpu.memory_space<hbm>>) target(%dma_start3A_9 : memref<624x128xf32, #tpu.memory_space<vmem_shared>>) target_semaphore(%arg14 : memref<!tpu.dma_semaphore, #tpu.memory_space<semaphore_mem>>)
    %dma_wait3A = tpu.memref_slice %arg2[%mul3A_2] : memref<320000xi32, #tpu.memory_space<hbm>> -> memref<10000xi32, #tpu.memory_space<hbm>>
    %dma_wait3A_12 = tpu.memref_slice %arg2[%mul3A_2] : memref<320000xi32, #tpu.memory_space<hbm>> -> memref<10000xi32, #tpu.memory_space<hbm>>
    tpu.wait_dma2 semaphore(%arg12 : memref<!tpu.dma_semaphore, #tpu.memory_space<semaphore_mem>>) src(%dma_wait3A_12 : memref<10000xi32, #tpu.memory_space<hbm>>) dst(%arg6 : memref<10000xi32, #tpu.memory_space<vmem>>)
    %multiple_of3A = arith.constant 0 : i32
    %multiple_of3A_13 = tpu.assume_multiple %multiple_of3A, 8 : i32
    %dma_start3A_14 = tpu.memref_slice %arg6[%multiple_of3A_13] : memref<10000xi32, #tpu.memory_space<vmem>> -> memref<80xi32, #tpu.memory_space<vmem>>
    %dma_start3A_15 = arith.constant 0 : i32
    %dma_start3A_16 = arith.constant 0 : i32
    %dma_start3A_17 = tpu.memref_slice %arg4[%dma_start3A_15, %dma_start3A_16] : memref<10000x128xf32, #tpu.memory_space<hbm>> -> memref<10000x128xf32, #tpu.memory_space<hbm>>
    tpu.enqueue_indirect_dma source(%dma_start3A_17 : memref<10000x128xf32, #tpu.memory_space<hbm>>) target(%arg8 : memref<80x128xf32, #tpu.memory_space<vmem>>) offsets(%dma_start3A_14 : memref<80xi32, #tpu.memory_space<vmem>>) semaphore(%arg12 : memref<!tpu.dma_semaphore, #tpu.memory_space<semaphore_mem>>)
    %eq3A = arith.constant 15 : i32
    %eq3A_18 = arith.cmpi eq, %arg1, %eq3A : i32
    %convert_element_type3A = arith.extui %eq3A_18 : i1 to i32
    %cond3A = arith.constant 0 : i32
    %cond3A_19 = arith.cmpi ne, %convert_element_type3A, %cond3A : i32
    scf.if %cond3A_19 {
      "tpu.region"() ({
        %run_scoped3A = tpu.sem_alloc : memref<!tpu.dma_semaphore, #tpu.memory_space<semaphore_mem>>
        %dma_start3A_65 = arith.constant 9984 : i32
        %dma_start3A_66 = arith.constant 0 : i32
        %dma_start3A_67 = tpu.memref_slice %arg11[%dma_start3A_65, %dma_start3A_66] : memref<10000x128xf32, #tpu.memory_space<vmem_shared>> -> memref<16x128xf32, #tpu.memory_space<vmem_shared>>
        %dma_start3A_68 = arith.constant 9984 : i32
        %dma_start3A_69 = arith.constant 0 : i32
        %dma_start3A_70 = tpu.memref_slice %arg4[%dma_start3A_68, %dma_start3A_69] : memref<10000x128xf32, #tpu.memory_space<hbm>> -> memref<16x128xf32, #tpu.memory_space<hbm>>
        tpu.enqueue_dma source(%dma_start3A_70 : memref<16x128xf32, #tpu.memory_space<hbm>>) target(%dma_start3A_67 : memref<16x128xf32, #tpu.memory_space<vmem_shared>>) target_semaphore(%run_scoped3A : memref<!tpu.dma_semaphore, #tpu.memory_space<semaphore_mem>>)
        %dma_wait3A_71 = arith.constant 9984 : i32
        %dma_wait3A_72 = arith.constant 0 : i32
        %dma_wait3A_73 = tpu.memref_slice %arg11[%dma_wait3A_71, %dma_wait3A_72] : memref<10000x128xf32, #tpu.memory_space<vmem_shared>> -> memref<16x128xf32, #tpu.memory_space<vmem_shared>>
        %dma_wait3A_74 = arith.constant 9984 : i32
        %dma_wait3A_75 = arith.constant 0 : i32
        %dma_wait3A_76 = tpu.memref_slice %arg4[%dma_wait3A_74, %dma_wait3A_75] : memref<10000x128xf32, #tpu.memory_space<hbm>> -> memref<16x128xf32, #tpu.memory_space<hbm>>
        tpu.wait_dma2 semaphore(%run_scoped3A : memref<!tpu.dma_semaphore, #tpu.memory_space<semaphore_mem>>) src(%dma_wait3A_76 : memref<16x128xf32, #tpu.memory_space<hbm>>) dst(%dma_wait3A_73 : memref<16x128xf32, #tpu.memory_space<vmem_shared>>)
        tpu.yield
      }) : () -> ()
    } else {
    }
    %dma_wait3A_20 = tpu.memref_slice %arg3[%mul3A_2] : memref<320000xi32, #tpu.memory_space<hbm>> -> memref<10000xi32, #tpu.memory_space<hbm>>
    %dma_wait3A_21 = tpu.memref_slice %arg3[%mul3A_2] : memref<320000xi32, #tpu.memory_space<hbm>> -> memref<10000xi32, #tpu.memory_space<hbm>>
    tpu.wait_dma2 semaphore(%arg13 : memref<!tpu.dma_semaphore, #tpu.memory_space<semaphore_mem>>) src(%dma_wait3A_21 : memref<10000xi32, #tpu.memory_space<hbm>>) dst(%arg7 : memref<10000xi32, #tpu.memory_space<vmem>>)
    %multiple_of3A_22 = arith.constant 80 : i32
    %multiple_of3A_23 = tpu.assume_multiple %multiple_of3A_22, 8 : i32
    %dma_start3A_24 = tpu.memref_slice %arg6[%multiple_of3A_23] : memref<10000xi32, #tpu.memory_space<vmem>> -> memref<80xi32, #tpu.memory_space<vmem>>
    %dma_start3A_25 = arith.constant 0 : i32
    %dma_start3A_26 = arith.constant 0 : i32
    %dma_start3A_27 = tpu.memref_slice %arg4[%dma_start3A_25, %dma_start3A_26] : memref<10000x128xf32, #tpu.memory_space<hbm>> -> memref<10000x128xf32, #tpu.memory_space<hbm>>
    tpu.enqueue_indirect_dma source(%dma_start3A_27 : memref<10000x128xf32, #tpu.memory_space<hbm>>) target(%arg9 : memref<80x128xf32, #tpu.memory_space<vmem>>) offsets(%dma_start3A_24 : memref<80xi32, #tpu.memory_space<vmem>>) semaphore(%arg13 : memref<!tpu.dma_semaphore, #tpu.memory_space<semaphore_mem>>)
    %dma_wait3A_28 = arith.constant 0 : i32
    %dma_wait3A_29 = tpu.memref_slice %arg11[%mul3A_4, %dma_wait3A_28] : memref<10000x128xf32, #tpu.memory_space<vmem_shared>> -> memref<624x128xf32, #tpu.memory_space<vmem_shared>>
    %dma_wait3A_30 = arith.constant 0 : i32
    %dma_wait3A_31 = tpu.memref_slice %arg4[%mul3A_4, %dma_wait3A_30] : memref<10000x128xf32, #tpu.memory_space<hbm>> -> memref<624x128xf32, #tpu.memory_space<hbm>>
    tpu.wait_dma2 semaphore(%arg14 : memref<!tpu.dma_semaphore, #tpu.memory_space<semaphore_mem>>) src(%dma_wait3A_31 : memref<624x128xf32, #tpu.memory_space<hbm>>) dst(%dma_wait3A_29 : memref<624x128xf32, #tpu.memory_space<vmem_shared>>)
    %multiple_of3A_32 = arith.constant 160 : i32
    %multiple_of3A_33 = tpu.assume_multiple %multiple_of3A_32, 8 : i32
    %dma_start3A_34 = tpu.memref_slice %arg6[%multiple_of3A_33] : memref<10000xi32, #tpu.memory_space<vmem>> -> memref<80xi32, #tpu.memory_space<vmem>>
    %dma_start3A_35 = arith.constant 0 : i32
    %dma_start3A_36 = arith.constant 0 : i32
    %dma_start3A_37 = tpu.memref_slice %arg4[%dma_start3A_35, %dma_start3A_36] : memref<10000x128xf32, #tpu.memory_space<hbm>> -> memref<10000x128xf32, #tpu.memory_space<hbm>>
    tpu.enqueue_indirect_dma source(%dma_start3A_37 : memref<10000x128xf32, #tpu.memory_space<hbm>>) target(%arg10 : memref<80x128xf32, #tpu.memory_space<vmem>>) offsets(%dma_start3A_34 : memref<80xi32, #tpu.memory_space<vmem>>) semaphore(%arg14 : memref<!tpu.dma_semaphore, #tpu.memory_space<semaphore_mem>>)
    %barrier3A = arith.constant 0 : index
    tpu.barrier barrier_id(%barrier3A)
    %scan3A = arith.constant 0 : i32
    %scan3A_38 = arith.constant 0 : i32
    %scan3A_39 = arith.constant 41 : i32
    %scan3A_40 = arith.addi %scan3A_38, %scan3A_39 : i32
    %scan3A_41 = arith.constant 1 : i32
    scf.for %scan3A_65 = %scan3A_38 to %scan3A_40 step %scan3A_41  : i32 {
      %mul3A_66 = arith.constant 3 : i32
      %mul3A_67 = arith.muli %mul3A_66, %scan3A_65 : i32
      %add3A_68 = arith.constant 0 : i32
      %add3A_69 = arith.addi %mul3A_67, %add3A_68 : i32
      %multiple_of3A_70 = arith.constant 0 : i32
      %multiple_of3A_71 = tpu.assume_multiple %multiple_of3A_70, 8 : i32
      %dma_wait3A_72 = tpu.memref_slice %arg6[%multiple_of3A_71] : memref<10000xi32, #tpu.memory_space<vmem>> -> memref<80xi32, #tpu.memory_space<vmem>>
      %dma_wait3A_73 = arith.constant 0 : i32
      %dma_wait3A_74 = arith.constant 0 : i32
      %dma_wait3A_75 = tpu.memref_slice %arg4[%dma_wait3A_73, %dma_wait3A_74] : memref<10000x128xf32, #tpu.memory_space<hbm>> -> memref<10000x128xf32, #tpu.memory_space<hbm>>
      tpu.wait_indirect_dma semaphore(%arg12 : memref<!tpu.dma_semaphore, #tpu.memory_space<semaphore_mem>>) src(%dma_wait3A_75 : memref<10000x128xf32, #tpu.memory_space<hbm>>) dst(%arg8 : memref<80x128xf32, #tpu.memory_space<vmem>>)
      %mul3A_76 = arith.constant 80 : i32
      %mul3A_77 = arith.muli %add3A_69, %mul3A_76 : i32
      %multiple_of3A_78 = tpu.assume_multiple %mul3A_77, 8 : i32
      "tpu.region"() ({
        %run_scoped3A = tpu.sem_alloc : memref<!tpu.dma_semaphore, #tpu.memory_space<semaphore_mem>>
        %dma_start3A_121 = tpu.memref_slice %arg7[%multiple_of3A_78] : memref<10000xi32, #tpu.memory_space<vmem>> -> memref<80xi32, #tpu.memory_space<vmem>>
        %dma_start3A_122 = arith.constant 0 : i32
        %dma_start3A_123 = arith.constant 0 : i32
        %dma_start3A_124 = tpu.memref_slice %arg11[%dma_start3A_122, %dma_start3A_123] : memref<10000x128xf32, #tpu.memory_space<vmem_shared>> -> memref<10000x128xf32, #tpu.memory_space<vmem_shared>>
        tpu.enqueue_indirect_dma source(%arg8 : memref<80x128xf32, #tpu.memory_space<vmem>>) target(%dma_start3A_124 : memref<10000x128xf32, #tpu.memory_space<vmem_shared>>) offsets(%dma_start3A_121 : memref<80xi32, #tpu.memory_space<vmem>>) semaphore(%run_scoped3A : memref<!tpu.dma_semaphore, #tpu.memory_space<semaphore_mem>>) {add = true}
        %dma_wait3A_125 = tpu.memref_slice %arg7[%multiple_of3A_78] : memref<10000xi32, #tpu.memory_space<vmem>> -> memref<80xi32, #tpu.memory_space<vmem>>
        %dma_wait3A_126 = arith.constant 0 : i32
        %dma_wait3A_127 = arith.constant 0 : i32
        %dma_wait3A_128 = tpu.memref_slice %arg11[%dma_wait3A_126, %dma_wait3A_127] : memref<10000x128xf32, #tpu.memory_space<vmem_shared>> -> memref<10000x128xf32, #tpu.memory_space<vmem_shared>>
        tpu.wait_indirect_dma semaphore(%run_scoped3A : memref<!tpu.dma_semaphore, #tpu.memory_space<semaphore_mem>>) src(%arg8 : memref<80x128xf32, #tpu.memory_space<vmem>>) dst(%dma_wait3A_128 : memref<10000x128xf32, #tpu.memory_space<vmem_shared>>)
        tpu.yield
      }) : () -> ()
      %add3A_79 = arith.constant 3 : i32
      %add3A_80 = arith.addi %add3A_69, %add3A_79 : i32
      %lt3A = arith.constant 125 : i32
      %lt3A_81 = arith.cmpi slt, %add3A_80, %lt3A : i32
      %convert_element_type3A_82 = arith.extui %lt3A_81 : i1 to i32
      %cond3A_83 = arith.constant 0 : i32
      %cond3A_84 = arith.cmpi ne, %convert_element_type3A_82, %cond3A_83 : i32
      scf.if %cond3A_84 {
        %add3A_121 = arith.constant 3 : i32
        %add3A_122 = arith.addi %add3A_69, %add3A_121 : i32
        %mul3A_123 = arith.constant 80 : i32
        %mul3A_124 = arith.muli %add3A_122, %mul3A_123 : i32
        %multiple_of3A_125 = tpu.assume_multiple %mul3A_124, 8 : i32
        %dma_start3A_126 = tpu.memref_slice %arg6[%multiple_of3A_125] : memref<10000xi32, #tpu.memory_space<vmem>> -> memref<80xi32, #tpu.memory_space<vmem>>
        %dma_start3A_127 = arith.constant 0 : i32
        %dma_start3A_128 = arith.constant 0 : i32
        %dma_start3A_129 = tpu.memref_slice %arg4[%dma_start3A_127, %dma_start3A_128] : memref<10000x128xf32, #tpu.memory_space<hbm>> -> memref<10000x128xf32, #tpu.memory_space<hbm>>
        tpu.enqueue_indirect_dma source(%dma_start3A_129 : memref<10000x128xf32, #tpu.memory_space<hbm>>) target(%arg8 : memref<80x128xf32, #tpu.memory_space<vmem>>) offsets(%dma_start3A_126 : memref<80xi32, #tpu.memory_space<vmem>>) semaphore(%arg12 : memref<!tpu.dma_semaphore, #tpu.memory_space<semaphore_mem>>)
      } else {
      }
      %add3A_85 = arith.constant 1 : i32
      %add3A_86 = arith.addi %mul3A_67, %add3A_85 : i32
      %multiple_of3A_87 = arith.constant 0 : i32
      %multiple_of3A_88 = tpu.assume_multiple %multiple_of3A_87, 8 : i32
      %dma_wait3A_89 = tpu.memref_slice %arg6[%multiple_of3A_88] : memref<10000xi32, #tpu.memory_space<vmem>> -> memref<80xi32, #tpu.memory_space<vmem>>
      %dma_wait3A_90 = arith.constant 0 : i32
      %dma_wait3A_91 = arith.constant 0 : i32
      %dma_wait3A_92 = tpu.memref_slice %arg4[%dma_wait3A_90, %dma_wait3A_91] : memref<10000x128xf32, #tpu.memory_space<hbm>> -> memref<10000x128xf32, #tpu.memory_space<hbm>>
      tpu.wait_indirect_dma semaphore(%arg13 : memref<!tpu.dma_semaphore, #tpu.memory_space<semaphore_mem>>) src(%dma_wait3A_92 : memref<10000x128xf32, #tpu.memory_space<hbm>>) dst(%arg9 : memref<80x128xf32, #tpu.memory_space<vmem>>)
      %mul3A_93 = arith.constant 80 : i32
      %mul3A_94 = arith.muli %add3A_86, %mul3A_93 : i32
      %multiple_of3A_95 = tpu.assume_multiple %mul3A_94, 8 : i32
      "tpu.region"() ({
        %run_scoped3A = tpu.sem_alloc : memref<!tpu.dma_semaphore, #tpu.memory_space<semaphore_mem>>
        %dma_start3A_121 = tpu.memref_slice %arg7[%multiple_of3A_95] : memref<10000xi32, #tpu.memory_space<vmem>> -> memref<80xi32, #tpu.memory_space<vmem>>
        %dma_start3A_122 = arith.constant 0 : i32
        %dma_start3A_123 = arith.constant 0 : i32
        %dma_start3A_124 = tpu.memref_slice %arg11[%dma_start3A_122, %dma_start3A_123] : memref<10000x128xf32, #tpu.memory_space<vmem_shared>> -> memref<10000x128xf32, #tpu.memory_space<vmem_shared>>
        tpu.enqueue_indirect_dma source(%arg9 : memref<80x128xf32, #tpu.memory_space<vmem>>) target(%dma_start3A_124 : memref<10000x128xf32, #tpu.memory_space<vmem_shared>>) offsets(%dma_start3A_121 : memref<80xi32, #tpu.memory_space<vmem>>) semaphore(%run_scoped3A : memref<!tpu.dma_semaphore, #tpu.memory_space<semaphore_mem>>) {add = true}
        %dma_wait3A_125 = tpu.memref_slice %arg7[%multiple_of3A_95] : memref<10000xi32, #tpu.memory_space<vmem>> -> memref<80xi32, #tpu.memory_space<vmem>>
        %dma_wait3A_126 = arith.constant 0 : i32
        %dma_wait3A_127 = arith.constant 0 : i32
        %dma_wait3A_128 = tpu.memref_slice %arg11[%dma_wait3A_126, %dma_wait3A_127] : memref<10000x128xf32, #tpu.memory_space<vmem_shared>> -> memref<10000x128xf32, #tpu.memory_space<vmem_shared>>
        tpu.wait_indirect_dma semaphore(%run_scoped3A : memref<!tpu.dma_semaphore, #tpu.memory_space<semaphore_mem>>) src(%arg9 : memref<80x128xf32, #tpu.memory_space<vmem>>) dst(%dma_wait3A_128 : memref<10000x128xf32, #tpu.memory_space<vmem_shared>>)
        tpu.yield
      }) : () -> ()
      %add3A_96 = arith.constant 3 : i32
      %add3A_97 = arith.addi %add3A_86, %add3A_96 : i32
      %lt3A_98 = arith.constant 125 : i32
      %lt3A_99 = arith.cmpi slt, %add3A_97, %lt3A_98 : i32
      %convert_element_type3A_100 = arith.extui %lt3A_99 : i1 to i32
      %cond3A_101 = arith.constant 0 : i32
      %cond3A_102 = arith.cmpi ne, %convert_element_type3A_100, %cond3A_101 : i32
      scf.if %cond3A_102 {
        %add3A_121 = arith.constant 3 : i32
        %add3A_122 = arith.addi %add3A_86, %add3A_121 : i32
        %mul3A_123 = arith.constant 80 : i32
        %mul3A_124 = arith.muli %add3A_122, %mul3A_123 : i32
        %multiple_of3A_125 = tpu.assume_multiple %mul3A_124, 8 : i32
        %dma_start3A_126 = tpu.memref_slice %arg6[%multiple_of3A_125] : memref<10000xi32, #tpu.memory_space<vmem>> -> memref<80xi32, #tpu.memory_space<vmem>>
        %dma_start3A_127 = arith.constant 0 : i32
        %dma_start3A_128 = arith.constant 0 : i32
        %dma_start3A_129 = tpu.memref_slice %arg4[%dma_start3A_127, %dma_start3A_128] : memref<10000x128xf32, #tpu.memory_space<hbm>> -> memref<10000x128xf32, #tpu.memory_space<hbm>>
        tpu.enqueue_indirect_dma source(%dma_start3A_129 : memref<10000x128xf32, #tpu.memory_space<hbm>>) target(%arg9 : memref<80x128xf32, #tpu.memory_space<vmem>>) offsets(%dma_start3A_126 : memref<80xi32, #tpu.memory_space<vmem>>) semaphore(%arg13 : memref<!tpu.dma_semaphore, #tpu.memory_space<semaphore_mem>>)
      } else {
      }
      %add3A_103 = arith.constant 2 : i32
      %add3A_104 = arith.addi %mul3A_67, %add3A_103 : i32
      %multiple_of3A_105 = arith.constant 0 : i32
      %multiple_of3A_106 = tpu.assume_multiple %multiple_of3A_105, 8 : i32
      %dma_wait3A_107 = tpu.memref_slice %arg6[%multiple_of3A_106] : memref<10000xi32, #tpu.memory_space<vmem>> -> memref<80xi32, #tpu.memory_space<vmem>>
      %dma_wait3A_108 = arith.constant 0 : i32
      %dma_wait3A_109 = arith.constant 0 : i32
      %dma_wait3A_110 = tpu.memref_slice %arg4[%dma_wait3A_108, %dma_wait3A_109] : memref<10000x128xf32, #tpu.memory_space<hbm>> -> memref<10000x128xf32, #tpu.memory_space<hbm>>
      tpu.wait_indirect_dma semaphore(%arg14 : memref<!tpu.dma_semaphore, #tpu.memory_space<semaphore_mem>>) src(%dma_wait3A_110 : memref<10000x128xf32, #tpu.memory_space<hbm>>) dst(%arg10 : memref<80x128xf32, #tpu.memory_space<vmem>>)
      %mul3A_111 = arith.constant 80 : i32
      %mul3A_112 = arith.muli %add3A_104, %mul3A_111 : i32
      %multiple_of3A_113 = tpu.assume_multiple %mul3A_112, 8 : i32
      "tpu.region"() ({
        %run_scoped3A = tpu.sem_alloc : memref<!tpu.dma_semaphore, #tpu.memory_space<semaphore_mem>>
        %dma_start3A_121 = tpu.memref_slice %arg7[%multiple_of3A_113] : memref<10000xi32, #tpu.memory_space<vmem>> -> memref<80xi32, #tpu.memory_space<vmem>>
        %dma_start3A_122 = arith.constant 0 : i32
        %dma_start3A_123 = arith.constant 0 : i32
        %dma_start3A_124 = tpu.memref_slice %arg11[%dma_start3A_122, %dma_start3A_123] : memref<10000x128xf32, #tpu.memory_space<vmem_shared>> -> memref<10000x128xf32, #tpu.memory_space<vmem_shared>>
        tpu.enqueue_indirect_dma source(%arg10 : memref<80x128xf32, #tpu.memory_space<vmem>>) target(%dma_start3A_124 : memref<10000x128xf32, #tpu.memory_space<vmem_shared>>) offsets(%dma_start3A_121 : memref<80xi32, #tpu.memory_space<vmem>>) semaphore(%run_scoped3A : memref<!tpu.dma_semaphore, #tpu.memory_space<semaphore_mem>>) {add = true}
        %dma_wait3A_125 = tpu.memref_slice %arg7[%multiple_of3A_113] : memref<10000xi32, #tpu.memory_space<vmem>> -> memref<80xi32, #tpu.memory_space<vmem>>
        %dma_wait3A_126 = arith.constant 0 : i32
        %dma_wait3A_127 = arith.constant 0 : i32
        %dma_wait3A_128 = tpu.memref_slice %arg11[%dma_wait3A_126, %dma_wait3A_127] : memref<10000x128xf32, #tpu.memory_space<vmem_shared>> -> memref<10000x128xf32, #tpu.memory_space<vmem_shared>>
        tpu.wait_indirect_dma semaphore(%run_scoped3A : memref<!tpu.dma_semaphore, #tpu.memory_space<semaphore_mem>>) src(%arg10 : memref<80x128xf32, #tpu.memory_space<vmem>>) dst(%dma_wait3A_128 : memref<10000x128xf32, #tpu.memory_space<vmem_shared>>)
        tpu.yield
      }) : () -> ()
      %add3A_114 = arith.constant 3 : i32
      %add3A_115 = arith.addi %add3A_104, %add3A_114 : i32
      %lt3A_116 = arith.constant 125 : i32
      %lt3A_117 = arith.cmpi slt, %add3A_115, %lt3A_116 : i32
      %convert_element_type3A_118 = arith.extui %lt3A_117 : i1 to i32
      %cond3A_119 = arith.constant 0 : i32
      %cond3A_120 = arith.cmpi ne, %convert_element_type3A_118, %cond3A_119 : i32
      scf.if %cond3A_120 {
        %add3A_121 = arith.constant 3 : i32
        %add3A_122 = arith.addi %add3A_104, %add3A_121 : i32
        %mul3A_123 = arith.constant 80 : i32
        %mul3A_124 = arith.muli %add3A_122, %mul3A_123 : i32
        %multiple_of3A_125 = tpu.assume_multiple %mul3A_124, 8 : i32
        %dma_start3A_126 = tpu.memref_slice %arg6[%multiple_of3A_125] : memref<10000xi32, #tpu.memory_space<vmem>> -> memref<80xi32, #tpu.memory_space<vmem>>
        %dma_start3A_127 = arith.constant 0 : i32
        %dma_start3A_128 = arith.constant 0 : i32
        %dma_start3A_129 = tpu.memref_slice %arg4[%dma_start3A_127, %dma_start3A_128] : memref<10000x128xf32, #tpu.memory_space<hbm>> -> memref<10000x128xf32, #tpu.memory_space<hbm>>
        tpu.enqueue_indirect_dma source(%dma_start3A_129 : memref<10000x128xf32, #tpu.memory_space<hbm>>) target(%arg10 : memref<80x128xf32, #tpu.memory_space<vmem>>) offsets(%dma_start3A_126 : memref<80xi32, #tpu.memory_space<vmem>>) semaphore(%arg14 : memref<!tpu.dma_semaphore, #tpu.memory_space<semaphore_mem>>)
      } else {
      }
    }
    %scan3A_42 = arith.constant 41 : i32
    %multiple_of3A_43 = arith.constant 0 : i32
    %multiple_of3A_44 = tpu.assume_multiple %multiple_of3A_43, 8 : i32
    %dma_wait3A_45 = tpu.memref_slice %arg6[%multiple_of3A_44] : memref<10000xi32, #tpu.memory_space<vmem>> -> memref<80xi32, #tpu.memory_space<vmem>>
    %dma_wait3A_46 = arith.constant 0 : i32
    %dma_wait3A_47 = arith.constant 0 : i32
    %dma_wait3A_48 = tpu.memref_slice %arg4[%dma_wait3A_46, %dma_wait3A_47] : memref<10000x128xf32, #tpu.memory_space<hbm>> -> memref<10000x128xf32, #tpu.memory_space<hbm>>
    tpu.wait_indirect_dma semaphore(%arg12 : memref<!tpu.dma_semaphore, #tpu.memory_space<semaphore_mem>>) src(%dma_wait3A_48 : memref<10000x128xf32, #tpu.memory_space<hbm>>) dst(%arg8 : memref<80x128xf32, #tpu.memory_space<vmem>>)
    %multiple_of3A_49 = arith.constant 9840 : i32
    %multiple_of3A_50 = tpu.assume_multiple %multiple_of3A_49, 8 : i32
    "tpu.region"() ({
      %run_scoped3A = tpu.sem_alloc : memref<!tpu.dma_semaphore, #tpu.memory_space<semaphore_mem>>
      %dma_start3A_65 = tpu.memref_slice %arg7[%multiple_of3A_50] : memref<10000xi32, #tpu.memory_space<vmem>> -> memref<80xi32, #tpu.memory_space<vmem>>
      %dma_start3A_66 = arith.constant 0 : i32
      %dma_start3A_67 = arith.constant 0 : i32
      %dma_start3A_68 = tpu.memref_slice %arg11[%dma_start3A_66, %dma_start3A_67] : memref<10000x128xf32, #tpu.memory_space<vmem_shared>> -> memref<10000x128xf32, #tpu.memory_space<vmem_shared>>
      tpu.enqueue_indirect_dma source(%arg8 : memref<80x128xf32, #tpu.memory_space<vmem>>) target(%dma_start3A_68 : memref<10000x128xf32, #tpu.memory_space<vmem_shared>>) offsets(%dma_start3A_65 : memref<80xi32, #tpu.memory_space<vmem>>) semaphore(%run_scoped3A : memref<!tpu.dma_semaphore, #tpu.memory_space<semaphore_mem>>) {add = true}
      %dma_wait3A_69 = tpu.memref_slice %arg7[%multiple_of3A_50] : memref<10000xi32, #tpu.memory_space<vmem>> -> memref<80xi32, #tpu.memory_space<vmem>>
      %dma_wait3A_70 = arith.constant 0 : i32
      %dma_wait3A_71 = arith.constant 0 : i32
      %dma_wait3A_72 = tpu.memref_slice %arg11[%dma_wait3A_70, %dma_wait3A_71] : memref<10000x128xf32, #tpu.memory_space<vmem_shared>> -> memref<10000x128xf32, #tpu.memory_space<vmem_shared>>
      tpu.wait_indirect_dma semaphore(%run_scoped3A : memref<!tpu.dma_semaphore, #tpu.memory_space<semaphore_mem>>) src(%arg8 : memref<80x128xf32, #tpu.memory_space<vmem>>) dst(%dma_wait3A_72 : memref<10000x128xf32, #tpu.memory_space<vmem_shared>>)
      tpu.yield
    }) : () -> ()
    %multiple_of3A_51 = arith.constant 0 : i32
    %multiple_of3A_52 = tpu.assume_multiple %multiple_of3A_51, 8 : i32
    %dma_wait3A_53 = tpu.memref_slice %arg6[%multiple_of3A_52] : memref<10000xi32, #tpu.memory_space<vmem>> -> memref<80xi32, #tpu.memory_space<vmem>>
    %dma_wait3A_54 = arith.constant 0 : i32
    %dma_wait3A_55 = arith.constant 0 : i32
    %dma_wait3A_56 = tpu.memref_slice %arg4[%dma_wait3A_54, %dma_wait3A_55] : memref<10000x128xf32, #tpu.memory_space<hbm>> -> memref<10000x128xf32, #tpu.memory_space<hbm>>
    tpu.wait_indirect_dma semaphore(%arg13 : memref<!tpu.dma_semaphore, #tpu.memory_space<semaphore_mem>>) src(%dma_wait3A_56 : memref<10000x128xf32, #tpu.memory_space<hbm>>) dst(%arg9 : memref<80x128xf32, #tpu.memory_space<vmem>>)
    %multiple_of3A_57 = arith.constant 9920 : i32
    %multiple_of3A_58 = tpu.assume_multiple %multiple_of3A_57, 8 : i32
    "tpu.region"() ({
      %run_scoped3A = tpu.sem_alloc : memref<!tpu.dma_semaphore, #tpu.memory_space<semaphore_mem>>
      %dma_start3A_65 = tpu.memref_slice %arg7[%multiple_of3A_58] : memref<10000xi32, #tpu.memory_space<vmem>> -> memref<80xi32, #tpu.memory_space<vmem>>
      %dma_start3A_66 = arith.constant 0 : i32
      %dma_start3A_67 = arith.constant 0 : i32
      %dma_start3A_68 = tpu.memref_slice %arg11[%dma_start3A_66, %dma_start3A_67] : memref<10000x128xf32, #tpu.memory_space<vmem_shared>> -> memref<10000x128xf32, #tpu.memory_space<vmem_shared>>
      tpu.enqueue_indirect_dma source(%arg9 : memref<80x128xf32, #tpu.memory_space<vmem>>) target(%dma_start3A_68 : memref<10000x128xf32, #tpu.memory_space<vmem_shared>>) offsets(%dma_start3A_65 : memref<80xi32, #tpu.memory_space<vmem>>) semaphore(%run_scoped3A : memref<!tpu.dma_semaphore, #tpu.memory_space<semaphore_mem>>) {add = true}
      %dma_wait3A_69 = tpu.memref_slice %arg7[%multiple_of3A_58] : memref<10000xi32, #tpu.memory_space<vmem>> -> memref<80xi32, #tpu.memory_space<vmem>>
      %dma_wait3A_70 = arith.constant 0 : i32
      %dma_wait3A_71 = arith.constant 0 : i32
      %dma_wait3A_72 = tpu.memref_slice %arg11[%dma_wait3A_70, %dma_wait3A_71] : memref<10000x128xf32, #tpu.memory_space<vmem_shared>> -> memref<10000x128xf32, #tpu.memory_space<vmem_shared>>
      tpu.wait_indirect_dma semaphore(%run_scoped3A : memref<!tpu.dma_semaphore, #tpu.memory_space<semaphore_mem>>) src(%arg9 : memref<80x128xf32, #tpu.memory_space<vmem>>) dst(%dma_wait3A_72 : memref<10000x128xf32, #tpu.memory_space<vmem_shared>>)
      tpu.yield
    }) : () -> ()
    %barrier3A_59 = arith.constant 0 : index
    tpu.barrier barrier_id(%barrier3A_59)
    "tpu.region"() ({
      %run_scoped3A = tpu.sem_alloc : memref<!tpu.dma_semaphore, #tpu.memory_space<semaphore_mem>>
      %dma_start3A_65 = arith.constant 0 : i32
      %dma_start3A_66 = tpu.memref_slice %arg5[%arg0, %mul3A_4, %dma_start3A_65] : memref<2x10000x128xf32, #tpu.memory_space<hbm>> -> memref<1x624x128xf32, #tpu.memory_space<hbm>>
      %dma_start3A_67 = tpu.memref_squeeze %dma_start3A_66 : memref<1x624x128xf32, #tpu.memory_space<hbm>> -> memref<624x128xf32, #tpu.memory_space<hbm>>
      %dma_start3A_68 = arith.constant 0 : i32
      %dma_start3A_69 = tpu.memref_slice %arg11[%mul3A_4, %dma_start3A_68] : memref<10000x128xf32, #tpu.memory_space<vmem_shared>> -> memref<624x128xf32, #tpu.memory_space<vmem_shared>>
      tpu.enqueue_dma source(%dma_start3A_69 : memref<624x128xf32, #tpu.memory_space<vmem_shared>>) target(%dma_start3A_67 : memref<624x128xf32, #tpu.memory_space<hbm>>) target_semaphore(%run_scoped3A : memref<!tpu.dma_semaphore, #tpu.memory_space<semaphore_mem>>)
      %dma_wait3A_70 = arith.constant 0 : i32
      %dma_wait3A_71 = tpu.memref_slice %arg5[%arg0, %mul3A_4, %dma_wait3A_70] : memref<2x10000x128xf32, #tpu.memory_space<hbm>> -> memref<1x624x128xf32, #tpu.memory_space<hbm>>
      %dma_wait3A_72 = tpu.memref_squeeze %dma_wait3A_71 : memref<1x624x128xf32, #tpu.memory_space<hbm>> -> memref<624x128xf32, #tpu.memory_space<hbm>>
      %dma_wait3A_73 = arith.constant 0 : i32
      %dma_wait3A_74 = tpu.memref_slice %arg11[%mul3A_4, %dma_wait3A_73] : memref<10000x128xf32, #tpu.memory_space<vmem_shared>> -> memref<624x128xf32, #tpu.memory_space<vmem_shared>>
      tpu.wait_dma2 semaphore(%run_scoped3A : memref<!tpu.dma_semaphore, #tpu.memory_space<semaphore_mem>>) src(%dma_wait3A_74 : memref<624x128xf32, #tpu.memory_space<vmem_shared>>) dst(%dma_wait3A_72 : memref<624x128xf32, #tpu.memory_space<hbm>>)
      tpu.yield
    }) : () -> ()
    %eq3A_60 = arith.constant 15 : i32
    %eq3A_61 = arith.cmpi eq, %arg1, %eq3A_60 : i32
    %convert_element_type3A_62 = arith.extui %eq3A_61 : i1 to i32
    %cond3A_63 = arith.constant 0 : i32
    %cond3A_64 = arith.cmpi ne, %convert_element_type3A_62, %cond3A_63 : i32
    scf.if %cond3A_64 {
      "tpu.region"() ({
        %run_scoped3A = tpu.sem_alloc : memref<!tpu.dma_semaphore, #tpu.memory_space<semaphore_mem>>
        %dma_start3A_65 = arith.constant 9984 : i32
        %dma_start3A_66 = arith.constant 0 : i32
        %dma_start3A_67 = tpu.memref_slice %arg5[%arg0, %dma_start3A_65, %dma_start3A_66] : memref<2x10000x128xf32, #tpu.memory_space<hbm>> -> memref<1x16x128xf32, #tpu.memory_space<hbm>>
        %dma_start3A_68 = tpu.memref_squeeze %dma_start3A_67 : memref<1x16x128xf32, #tpu.memory_space<hbm>> -> memref<16x128xf32, #tpu.memory_space<hbm>>
        %dma_start3A_69 = arith.constant 9984 : i32
        %dma_start3A_70 = arith.constant 0 : i32
        %dma_start3A_71 = tpu.memref_slice %arg11[%dma_start3A_69, %dma_start3A_70] : memref<10000x128xf32, #tpu.memory_space<vmem_shared>> -> memref<16x128xf32, #tpu.memory_space<vmem_shared>>
        tpu.enqueue_dma source(%dma_start3A_71 : memref<16x128xf32, #tpu.memory_space<vmem_shared>>) target(%dma_start3A_68 : memref<16x128xf32, #tpu.memory_space<hbm>>) target_semaphore(%run_scoped3A : memref<!tpu.dma_semaphore, #tpu.memory_space<semaphore_mem>>)
        %dma_wait3A_72 = arith.constant 9984 : i32
        %dma_wait3A_73 = arith.constant 0 : i32
        %dma_wait3A_74 = tpu.memref_slice %arg5[%arg0, %dma_wait3A_72, %dma_wait3A_73] : memref<2x10000x128xf32, #tpu.memory_space<hbm>> -> memref<1x16x128xf32, #tpu.memory_space<hbm>>
        %dma_wait3A_75 = tpu.memref_squeeze %dma_wait3A_74 : memref<1x16x128xf32, #tpu.memory_space<hbm>> -> memref<16x128xf32, #tpu.memory_space<hbm>>
        %dma_wait3A_76 = arith.constant 9984 : i32
        %dma_wait3A_77 = arith.constant 0 : i32
        %dma_wait3A_78 = tpu.memref_slice %arg11[%dma_wait3A_76, %dma_wait3A_77] : memref<10000x128xf32, #tpu.memory_space<vmem_shared>> -> memref<16x128xf32, #tpu.memory_space<vmem_shared>>
        tpu.wait_dma2 semaphore(%run_scoped3A : memref<!tpu.dma_semaphore, #tpu.memory_space<semaphore_mem>>) src(%dma_wait3A_78 : memref<16x128xf32, #tpu.memory_space<vmem_shared>>) dst(%dma_wait3A_75 : memref<16x128xf32, #tpu.memory_space<hbm>>)
        tpu.yield
      }) : () -> ()
    } else {
    }
    return
  }
}

#map = affine_map<(d0, d1) -> (0)>
#map1 = affine_map<(d0, d1) -> (0, 0)>
#map2 = affine_map<(d0, d1) -> (0, 0, 0)>
module attributes {stable_mosaic.version = 14 : i64} {
  func.func @_edge_agg(%arg0: i32, %arg1: i32, %arg2: memref<320000xi32, #tpu.memory_space<hbm>>, %arg3: memref<320000xi32, #tpu.memory_space<hbm>>, %arg4: memref<10000x128xf32, #tpu.memory_space<hbm>>, %arg5: memref<2x10000x128xf32, #tpu.memory_space<hbm>>, %arg6: memref<10000xi32, #tpu.memory_space<vmem>>, %arg7: memref<10000xi32, #tpu.memory_space<vmem>>, %arg8: memref<80x128xf32, #tpu.memory_space<vmem>>, %arg9: memref<80x128xf32, #tpu.memory_space<vmem>>, %arg10: memref<80x128xf32, #tpu.memory_space<vmem>>, %arg11: memref<10000x128xf32, #tpu.memory_space<vmem_shared>>, %arg12: memref<!tpu.dma_semaphore, #tpu.memory_space<semaphore_mem>>, %arg13: memref<!tpu.dma_semaphore, #tpu.memory_space<semaphore_mem>>, %arg14: memref<!tpu.dma_semaphore, #tpu.memory_space<semaphore_mem>>) attributes {dimension_semantics = [#tpu.dimension_semantics<core_parallel>, #tpu.dimension_semantics<subcore_parallel>], iteration_bounds = array<i64: 2, 16>, scalar_prefetch = 0 : i64, scratch_operands = 9 : i64, tpu.core_type = #tpu.core_type<sc_vector_subcore>, window_params = [{transform_indices = #map}, {transform_indices = #map}, {transform_indices = #map1}, {transform_indices = #map2}]} {
    %mul3A = arith.constant 16 : i32
    %mul3A_0 = arith.muli %arg0, %mul3A : i32
    %add3A = arith.addi %mul3A_0, %arg1 : i32
    %mul3A_1 = arith.constant 10000 : i32
    %mul3A_2 = arith.muli %add3A, %mul3A_1 : i32
    %mul3A_3 = arith.constant 624 : i32
    %mul3A_4 = arith.muli %arg1, %mul3A_3 : i32
    %dma_start3A = tpu.memref_slice %arg2[%mul3A_2] : memref<320000xi32, #tpu.memory_space<hbm>> -> memref<10000xi32, #tpu.memory_space<hbm>>
    %dma_start3A_5 = tpu.memref_slice %arg2[%mul3A_2] : memref<320000xi32, #tpu.memory_space<hbm>> -> memref<10000xi32, #tpu.memory_space<hbm>>
    tpu.enqueue_dma source(%dma_start3A_5 : memref<10000xi32, #tpu.memory_space<hbm>>) target(%arg6 : memref<10000xi32, #tpu.memory_space<vmem>>) target_semaphore(%arg12 : memref<!tpu.dma_semaphore, #tpu.memory_space<semaphore_mem>>)
    %dma_start3A_6 = tpu.memref_slice %arg3[%mul3A_2] : memref<320000xi32, #tpu.memory_space<hbm>> -> memref<10000xi32, #tpu.memory_space<hbm>>
    %dma_start3A_7 = tpu.memref_slice %arg3[%mul3A_2] : memref<320000xi32, #tpu.memory_space<hbm>> -> memref<10000xi32, #tpu.memory_space<hbm>>
    tpu.enqueue_dma source(%dma_start3A_7 : memref<10000xi32, #tpu.memory_space<hbm>>) target(%arg7 : memref<10000xi32, #tpu.memory_space<vmem>>) target_semaphore(%arg13 : memref<!tpu.dma_semaphore, #tpu.memory_space<semaphore_mem>>)
    %dma_start3A_8 = arith.constant 0 : i32
    %dma_start3A_9 = tpu.memref_slice %arg11[%mul3A_4, %dma_start3A_8] : memref<10000x128xf32, #tpu.memory_space<vmem_shared>> -> memref<624x128xf32, #tpu.memory_space<vmem_shared>>
    %dma_start3A_10 = arith.constant 0 : i32
    %dma_start3A_11 = tpu.memref_slice %arg4[%mul3A_4, %dma_start3A_10] : memref<10000x128xf32, #tpu.memory_space<hbm>> -> memref<624x128xf32, #tpu.memory_space<hbm>>
    tpu.enqueue_dma source(%dma_start3A_11 : memref<624x128xf32, #tpu.memory_space<hbm>>) target(%dma_start3A_9 : memref<624x128xf32, #tpu.memory_space<vmem_shared>>) target_semaphore(%arg14 : memref<!tpu.dma_semaphore, #tpu.memory_space<semaphore_mem>>)
    %dma_wait3A = tpu.memref_slice %arg2[%mul3A_2] : memref<320000xi32, #tpu.memory_space<hbm>> -> memref<10000xi32, #tpu.memory_space<hbm>>
    %dma_wait3A_12 = tpu.memref_slice %arg2[%mul3A_2] : memref<320000xi32, #tpu.memory_space<hbm>> -> memref<10000xi32, #tpu.memory_space<hbm>>
    tpu.wait_dma2 semaphore(%arg12 : memref<!tpu.dma_semaphore, #tpu.memory_space<semaphore_mem>>) src(%dma_wait3A_12 : memref<10000xi32, #tpu.memory_space<hbm>>) dst(%arg6 : memref<10000xi32, #tpu.memory_space<vmem>>)
    %multiple_of3A = arith.constant 0 : i32
    %multiple_of3A_13 = tpu.assume_multiple %multiple_of3A, 8 : i32
    %dma_start3A_14 = tpu.memref_slice %arg6[%multiple_of3A_13] : memref<10000xi32, #tpu.memory_space<vmem>> -> memref<80xi32, #tpu.memory_space<vmem>>
    %dma_start3A_15 = arith.constant 0 : i32
    %dma_start3A_16 = arith.constant 0 : i32
    %dma_start3A_17 = tpu.memref_slice %arg4[%dma_start3A_15, %dma_start3A_16] : memref<10000x128xf32, #tpu.memory_space<hbm>> -> memref<10000x128xf32, #tpu.memory_space<hbm>>
    tpu.enqueue_indirect_dma source(%dma_start3A_17 : memref<10000x128xf32, #tpu.memory_space<hbm>>) target(%arg8 : memref<80x128xf32, #tpu.memory_space<vmem>>) offsets(%dma_start3A_14 : memref<80xi32, #tpu.memory_space<vmem>>) semaphore(%arg12 : memref<!tpu.dma_semaphore, #tpu.memory_space<semaphore_mem>>)
    %eq3A = arith.constant 15 : i32
    %eq3A_18 = arith.cmpi eq, %arg1, %eq3A : i32
    %convert_element_type3A = arith.extui %eq3A_18 : i1 to i32
    %cond3A = arith.constant 0 : i32
    %cond3A_19 = arith.cmpi ne, %convert_element_type3A, %cond3A : i32
    scf.if %cond3A_19 {
      "tpu.region"() ({
        %run_scoped3A = tpu.sem_alloc : memref<!tpu.dma_semaphore, #tpu.memory_space<semaphore_mem>>
        %dma_start3A_65 = arith.constant 9984 : i32
        %dma_start3A_66 = arith.constant 0 : i32
        %dma_start3A_67 = tpu.memref_slice %arg11[%dma_start3A_65, %dma_start3A_66] : memref<10000x128xf32, #tpu.memory_space<vmem_shared>> -> memref<16x128xf32, #tpu.memory_space<vmem_shared>>
        %dma_start3A_68 = arith.constant 9984 : i32
        %dma_start3A_69 = arith.constant 0 : i32
        %dma_start3A_70 = tpu.memref_slice %arg4[%dma_start3A_68, %dma_start3A_69] : memref<10000x128xf32, #tpu.memory_space<hbm>> -> memref<16x128xf32, #tpu.memory_space<hbm>>
        tpu.enqueue_dma source(%dma_start3A_70 : memref<16x128xf32, #tpu.memory_space<hbm>>) target(%dma_start3A_67 : memref<16x128xf32, #tpu.memory_space<vmem_shared>>) target_semaphore(%run_scoped3A : memref<!tpu.dma_semaphore, #tpu.memory_space<semaphore_mem>>)
        %dma_wait3A_71 = arith.constant 9984 : i32
        %dma_wait3A_72 = arith.constant 0 : i32
        %dma_wait3A_73 = tpu.memref_slice %arg11[%dma_wait3A_71, %dma_wait3A_72] : memref<10000x128xf32, #tpu.memory_space<vmem_shared>> -> memref<16x128xf32, #tpu.memory_space<vmem_shared>>
        %dma_wait3A_74 = arith.constant 9984 : i32
        %dma_wait3A_75 = arith.constant 0 : i32
        %dma_wait3A_76 = tpu.memref_slice %arg4[%dma_wait3A_74, %dma_wait3A_75] : memref<10000x128xf32, #tpu.memory_space<hbm>> -> memref<16x128xf32, #tpu.memory_space<hbm>>
        tpu.wait_dma2 semaphore(%run_scoped3A : memref<!tpu.dma_semaphore, #tpu.memory_space<semaphore_mem>>) src(%dma_wait3A_76 : memref<16x128xf32, #tpu.memory_space<hbm>>) dst(%dma_wait3A_73 : memref<16x128xf32, #tpu.memory_space<vmem_shared>>)
        tpu.yield
      }) : () -> ()
    } else {
    }
    %dma_wait3A_20 = tpu.memref_slice %arg3[%mul3A_2] : memref<320000xi32, #tpu.memory_space<hbm>> -> memref<10000xi32, #tpu.memory_space<hbm>>
    %dma_wait3A_21 = tpu.memref_slice %arg3[%mul3A_2] : memref<320000xi32, #tpu.memory_space<hbm>> -> memref<10000xi32, #tpu.memory_space<hbm>>
    tpu.wait_dma2 semaphore(%arg13 : memref<!tpu.dma_semaphore, #tpu.memory_space<semaphore_mem>>) src(%dma_wait3A_21 : memref<10000xi32, #tpu.memory_space<hbm>>) dst(%arg7 : memref<10000xi32, #tpu.memory_space<vmem>>)
    %multiple_of3A_22 = arith.constant 80 : i32
    %multiple_of3A_23 = tpu.assume_multiple %multiple_of3A_22, 8 : i32
    %dma_start3A_24 = tpu.memref_slice %arg6[%multiple_of3A_23] : memref<10000xi32, #tpu.memory_space<vmem>> -> memref<80xi32, #tpu.memory_space<vmem>>
    %dma_start3A_25 = arith.constant 0 : i32
    %dma_start3A_26 = arith.constant 0 : i32
    %dma_start3A_27 = tpu.memref_slice %arg4[%dma_start3A_25, %dma_start3A_26] : memref<10000x128xf32, #tpu.memory_space<hbm>> -> memref<10000x128xf32, #tpu.memory_space<hbm>>
    tpu.enqueue_indirect_dma source(%dma_start3A_27 : memref<10000x128xf32, #tpu.memory_space<hbm>>) target(%arg9 : memref<80x128xf32, #tpu.memory_space<vmem>>) offsets(%dma_start3A_24 : memref<80xi32, #tpu.memory_space<vmem>>) semaphore(%arg13 : memref<!tpu.dma_semaphore, #tpu.memory_space<semaphore_mem>>)
    %dma_wait3A_28 = arith.constant 0 : i32
    %dma_wait3A_29 = tpu.memref_slice %arg11[%mul3A_4, %dma_wait3A_28] : memref<10000x128xf32, #tpu.memory_space<vmem_shared>> -> memref<624x128xf32, #tpu.memory_space<vmem_shared>>
    %dma_wait3A_30 = arith.constant 0 : i32
    %dma_wait3A_31 = tpu.memref_slice %arg4[%mul3A_4, %dma_wait3A_30] : memref<10000x128xf32, #tpu.memory_space<hbm>> -> memref<624x128xf32, #tpu.memory_space<hbm>>
    tpu.wait_dma2 semaphore(%arg14 : memref<!tpu.dma_semaphore, #tpu.memory_space<semaphore_mem>>) src(%dma_wait3A_31 : memref<624x128xf32, #tpu.memory_space<hbm>>) dst(%dma_wait3A_29 : memref<624x128xf32, #tpu.memory_space<vmem_shared>>)
    %multiple_of3A_32 = arith.constant 160 : i32
    %multiple_of3A_33 = tpu.assume_multiple %multiple_of3A_32, 8 : i32
    %dma_start3A_34 = tpu.memref_slice %arg6[%multiple_of3A_33] : memref<10000xi32, #tpu.memory_space<vmem>> -> memref<80xi32, #tpu.memory_space<vmem>>
    %dma_start3A_35 = arith.constant 0 : i32
    %dma_start3A_36 = arith.constant 0 : i32
    %dma_start3A_37 = tpu.memref_slice %arg4[%dma_start3A_35, %dma_start3A_36] : memref<10000x128xf32, #tpu.memory_space<hbm>> -> memref<10000x128xf32, #tpu.memory_space<hbm>>
    tpu.enqueue_indirect_dma source(%dma_start3A_37 : memref<10000x128xf32, #tpu.memory_space<hbm>>) target(%arg10 : memref<80x128xf32, #tpu.memory_space<vmem>>) offsets(%dma_start3A_34 : memref<80xi32, #tpu.memory_space<vmem>>) semaphore(%arg14 : memref<!tpu.dma_semaphore, #tpu.memory_space<semaphore_mem>>)
    %barrier3A = arith.constant 0 : index
    tpu.barrier barrier_id(%barrier3A)
    %scan3A = arith.constant 0 : i32
    %scan3A_38 = arith.constant 0 : i32
    %scan3A_39 = arith.constant 41 : i32
    %scan3A_40 = arith.addi %scan3A_38, %scan3A_39 : i32
    %scan3A_41 = arith.constant 1 : i32
    scf.for %scan3A_65 = %scan3A_38 to %scan3A_40 step %scan3A_41  : i32 {
      %mul3A_66 = arith.constant 3 : i32
      %mul3A_67 = arith.muli %mul3A_66, %scan3A_65 : i32
      %add3A_68 = arith.constant 0 : i32
      %add3A_69 = arith.addi %mul3A_67, %add3A_68 : i32
      %multiple_of3A_70 = arith.constant 0 : i32
      %multiple_of3A_71 = tpu.assume_multiple %multiple_of3A_70, 8 : i32
      %dma_wait3A_72 = tpu.memref_slice %arg6[%multiple_of3A_71] : memref<10000xi32, #tpu.memory_space<vmem>> -> memref<80xi32, #tpu.memory_space<vmem>>
      %dma_wait3A_73 = arith.constant 0 : i32
      %dma_wait3A_74 = arith.constant 0 : i32
      %dma_wait3A_75 = tpu.memref_slice %arg4[%dma_wait3A_73, %dma_wait3A_74] : memref<10000x128xf32, #tpu.memory_space<hbm>> -> memref<10000x128xf32, #tpu.memory_space<hbm>>
      tpu.wait_indirect_dma semaphore(%arg12 : memref<!tpu.dma_semaphore, #tpu.memory_space<semaphore_mem>>) src(%dma_wait3A_75 : memref<10000x128xf32, #tpu.memory_space<hbm>>) dst(%arg8 : memref<80x128xf32, #tpu.memory_space<vmem>>)
      %mul3A_76 = arith.constant 80 : i32
      %mul3A_77 = arith.muli %add3A_69, %mul3A_76 : i32
      %multiple_of3A_78 = tpu.assume_multiple %mul3A_77, 8 : i32
      "tpu.region"() ({
        %run_scoped3A = tpu.sem_alloc : memref<!tpu.dma_semaphore, #tpu.memory_space<semaphore_mem>>
        %dma_start3A_121 = tpu.memref_slice %arg7[%multiple_of3A_78] : memref<10000xi32, #tpu.memory_space<vmem>> -> memref<80xi32, #tpu.memory_space<vmem>>
        %dma_start3A_122 = arith.constant 0 : i32
        %dma_start3A_123 = arith.constant 0 : i32
        %dma_start3A_124 = tpu.memref_slice %arg11[%dma_start3A_122, %dma_start3A_123] : memref<10000x128xf32, #tpu.memory_space<vmem_shared>> -> memref<10000x128xf32, #tpu.memory_space<vmem_shared>>
        tpu.enqueue_indirect_dma source(%arg8 : memref<80x128xf32, #tpu.memory_space<vmem>>) target(%dma_start3A_124 : memref<10000x128xf32, #tpu.memory_space<vmem_shared>>) offsets(%dma_start3A_121 : memref<80xi32, #tpu.memory_space<vmem>>) semaphore(%run_scoped3A : memref<!tpu.dma_semaphore, #tpu.memory_space<semaphore_mem>>) {add = true}
        %dma_wait3A_125 = tpu.memref_slice %arg7[%multiple_of3A_78] : memref<10000xi32, #tpu.memory_space<vmem>> -> memref<80xi32, #tpu.memory_space<vmem>>
        %dma_wait3A_126 = arith.constant 0 : i32
        %dma_wait3A_127 = arith.constant 0 : i32
        %dma_wait3A_128 = tpu.memref_slice %arg11[%dma_wait3A_126, %dma_wait3A_127] : memref<10000x128xf32, #tpu.memory_space<vmem_shared>> -> memref<10000x128xf32, #tpu.memory_space<vmem_shared>>
        tpu.wait_indirect_dma semaphore(%run_scoped3A : memref<!tpu.dma_semaphore, #tpu.memory_space<semaphore_mem>>) src(%arg8 : memref<80x128xf32, #tpu.memory_space<vmem>>) dst(%dma_wait3A_128 : memref<10000x128xf32, #tpu.memory_space<vmem_shared>>)
        tpu.yield
      }) : () -> ()
      %add3A_79 = arith.constant 3 : i32
      %add3A_80 = arith.addi %add3A_69, %add3A_79 : i32
      %lt3A = arith.constant 125 : i32
      %lt3A_81 = arith.cmpi slt, %add3A_80, %lt3A : i32
      %convert_element_type3A_82 = arith.extui %lt3A_81 : i1 to i32
      %cond3A_83 = arith.constant 0 : i32
      %cond3A_84 = arith.cmpi ne, %convert_element_type3A_82, %cond3A_83 : i32
      scf.if %cond3A_84 {
        %add3A_121 = arith.constant 3 : i32
        %add3A_122 = arith.addi %add3A_69, %add3A_121 : i32
        %mul3A_123 = arith.constant 80 : i32
        %mul3A_124 = arith.muli %add3A_122, %mul3A_123 : i32
        %multiple_of3A_125 = tpu.assume_multiple %mul3A_124, 8 : i32
        %dma_start3A_126 = tpu.memref_slice %arg6[%multiple_of3A_125] : memref<10000xi32, #tpu.memory_space<vmem>> -> memref<80xi32, #tpu.memory_space<vmem>>
        %dma_start3A_127 = arith.constant 0 : i32
        %dma_start3A_128 = arith.constant 0 : i32
        %dma_start3A_129 = tpu.memref_slice %arg4[%dma_start3A_127, %dma_start3A_128] : memref<10000x128xf32, #tpu.memory_space<hbm>> -> memref<10000x128xf32, #tpu.memory_space<hbm>>
        tpu.enqueue_indirect_dma source(%dma_start3A_129 : memref<10000x128xf32, #tpu.memory_space<hbm>>) target(%arg8 : memref<80x128xf32, #tpu.memory_space<vmem>>) offsets(%dma_start3A_126 : memref<80xi32, #tpu.memory_space<vmem>>) semaphore(%arg12 : memref<!tpu.dma_semaphore, #tpu.memory_space<semaphore_mem>>)
      } else {
      }
      %add3A_85 = arith.constant 1 : i32
      %add3A_86 = arith.addi %mul3A_67, %add3A_85 : i32
      %multiple_of3A_87 = arith.constant 0 : i32
      %multiple_of3A_88 = tpu.assume_multiple %multiple_of3A_87, 8 : i32
      %dma_wait3A_89 = tpu.memref_slice %arg6[%multiple_of3A_88] : memref<10000xi32, #tpu.memory_space<vmem>> -> memref<80xi32, #tpu.memory_space<vmem>>
      %dma_wait3A_90 = arith.constant 0 : i32
      %dma_wait3A_91 = arith.constant 0 : i32
      %dma_wait3A_92 = tpu.memref_slice %arg4[%dma_wait3A_90, %dma_wait3A_91] : memref<10000x128xf32, #tpu.memory_space<hbm>> -> memref<10000x128xf32, #tpu.memory_space<hbm>>
      tpu.wait_indirect_dma semaphore(%arg13 : memref<!tpu.dma_semaphore, #tpu.memory_space<semaphore_mem>>) src(%dma_wait3A_92 : memref<10000x128xf32, #tpu.memory_space<hbm>>) dst(%arg9 : memref<80x128xf32, #tpu.memory_space<vmem>>)
      %mul3A_93 = arith.constant 80 : i32
      %mul3A_94 = arith.muli %add3A_86, %mul3A_93 : i32
      %multiple_of3A_95 = tpu.assume_multiple %mul3A_94, 8 : i32
      "tpu.region"() ({
        %run_scoped3A = tpu.sem_alloc : memref<!tpu.dma_semaphore, #tpu.memory_space<semaphore_mem>>
        %dma_start3A_121 = tpu.memref_slice %arg7[%multiple_of3A_95] : memref<10000xi32, #tpu.memory_space<vmem>> -> memref<80xi32, #tpu.memory_space<vmem>>
        %dma_start3A_122 = arith.constant 0 : i32
        %dma_start3A_123 = arith.constant 0 : i32
        %dma_start3A_124 = tpu.memref_slice %arg11[%dma_start3A_122, %dma_start3A_123] : memref<10000x128xf32, #tpu.memory_space<vmem_shared>> -> memref<10000x128xf32, #tpu.memory_space<vmem_shared>>
        tpu.enqueue_indirect_dma source(%arg9 : memref<80x128xf32, #tpu.memory_space<vmem>>) target(%dma_start3A_124 : memref<10000x128xf32, #tpu.memory_space<vmem_shared>>) offsets(%dma_start3A_121 : memref<80xi32, #tpu.memory_space<vmem>>) semaphore(%run_scoped3A : memref<!tpu.dma_semaphore, #tpu.memory_space<semaphore_mem>>) {add = true}
        %dma_wait3A_125 = tpu.memref_slice %arg7[%multiple_of3A_95] : memref<10000xi32, #tpu.memory_space<vmem>> -> memref<80xi32, #tpu.memory_space<vmem>>
        %dma_wait3A_126 = arith.constant 0 : i32
        %dma_wait3A_127 = arith.constant 0 : i32
        %dma_wait3A_128 = tpu.memref_slice %arg11[%dma_wait3A_126, %dma_wait3A_127] : memref<10000x128xf32, #tpu.memory_space<vmem_shared>> -> memref<10000x128xf32, #tpu.memory_space<vmem_shared>>
        tpu.wait_indirect_dma semaphore(%run_scoped3A : memref<!tpu.dma_semaphore, #tpu.memory_space<semaphore_mem>>) src(%arg9 : memref<80x128xf32, #tpu.memory_space<vmem>>) dst(%dma_wait3A_128 : memref<10000x128xf32, #tpu.memory_space<vmem_shared>>)
        tpu.yield
      }) : () -> ()
      %add3A_96 = arith.constant 3 : i32
      %add3A_97 = arith.addi %add3A_86, %add3A_96 : i32
      %lt3A_98 = arith.constant 125 : i32
      %lt3A_99 = arith.cmpi slt, %add3A_97, %lt3A_98 : i32
      %convert_element_type3A_100 = arith.extui %lt3A_99 : i1 to i32
      %cond3A_101 = arith.constant 0 : i32
      %cond3A_102 = arith.cmpi ne, %convert_element_type3A_100, %cond3A_101 : i32
      scf.if %cond3A_102 {
        %add3A_121 = arith.constant 3 : i32
        %add3A_122 = arith.addi %add3A_86, %add3A_121 : i32
        %mul3A_123 = arith.constant 80 : i32
        %mul3A_124 = arith.muli %add3A_122, %mul3A_123 : i32
        %multiple_of3A_125 = tpu.assume_multiple %mul3A_124, 8 : i32
        %dma_start3A_126 = tpu.memref_slice %arg6[%multiple_of3A_125] : memref<10000xi32, #tpu.memory_space<vmem>> -> memref<80xi32, #tpu.memory_space<vmem>>
        %dma_start3A_127 = arith.constant 0 : i32
        %dma_start3A_128 = arith.constant 0 : i32
        %dma_start3A_129 = tpu.memref_slice %arg4[%dma_start3A_127, %dma_start3A_128] : memref<10000x128xf32, #tpu.memory_space<hbm>> -> memref<10000x128xf32, #tpu.memory_space<hbm>>
        tpu.enqueue_indirect_dma source(%dma_start3A_129 : memref<10000x128xf32, #tpu.memory_space<hbm>>) target(%arg9 : memref<80x128xf32, #tpu.memory_space<vmem>>) offsets(%dma_start3A_126 : memref<80xi32, #tpu.memory_space<vmem>>) semaphore(%arg13 : memref<!tpu.dma_semaphore, #tpu.memory_space<semaphore_mem>>)
      } else {
      }
      %add3A_103 = arith.constant 2 : i32
      %add3A_104 = arith.addi %mul3A_67, %add3A_103 : i32
      %multiple_of3A_105 = arith.constant 0 : i32
      %multiple_of3A_106 = tpu.assume_multiple %multiple_of3A_105, 8 : i32
      %dma_wait3A_107 = tpu.memref_slice %arg6[%multiple_of3A_106] : memref<10000xi32, #tpu.memory_space<vmem>> -> memref<80xi32, #tpu.memory_space<vmem>>
      %dma_wait3A_108 = arith.constant 0 : i32
      %dma_wait3A_109 = arith.constant 0 : i32
      %dma_wait3A_110 = tpu.memref_slice %arg4[%dma_wait3A_108, %dma_wait3A_109] : memref<10000x128xf32, #tpu.memory_space<hbm>> -> memref<10000x128xf32, #tpu.memory_space<hbm>>
      tpu.wait_indirect_dma semaphore(%arg14 : memref<!tpu.dma_semaphore, #tpu.memory_space<semaphore_mem>>) src(%dma_wait3A_110 : memref<10000x128xf32, #tpu.memory_space<hbm>>) dst(%arg10 : memref<80x128xf32, #tpu.memory_space<vmem>>)
      %mul3A_111 = arith.constant 80 : i32
      %mul3A_112 = arith.muli %add3A_104, %mul3A_111 : i32
      %multiple_of3A_113 = tpu.assume_multiple %mul3A_112, 8 : i32
      "tpu.region"() ({
        %run_scoped3A = tpu.sem_alloc : memref<!tpu.dma_semaphore, #tpu.memory_space<semaphore_mem>>
        %dma_start3A_121 = tpu.memref_slice %arg7[%multiple_of3A_113] : memref<10000xi32, #tpu.memory_space<vmem>> -> memref<80xi32, #tpu.memory_space<vmem>>
        %dma_start3A_122 = arith.constant 0 : i32
        %dma_start3A_123 = arith.constant 0 : i32
        %dma_start3A_124 = tpu.memref_slice %arg11[%dma_start3A_122, %dma_start3A_123] : memref<10000x128xf32, #tpu.memory_space<vmem_shared>> -> memref<10000x128xf32, #tpu.memory_space<vmem_shared>>
        tpu.enqueue_indirect_dma source(%arg10 : memref<80x128xf32, #tpu.memory_space<vmem>>) target(%dma_start3A_124 : memref<10000x128xf32, #tpu.memory_space<vmem_shared>>) offsets(%dma_start3A_121 : memref<80xi32, #tpu.memory_space<vmem>>) semaphore(%run_scoped3A : memref<!tpu.dma_semaphore, #tpu.memory_space<semaphore_mem>>) {add = true}
        %dma_wait3A_125 = tpu.memref_slice %arg7[%multiple_of3A_113] : memref<10000xi32, #tpu.memory_space<vmem>> -> memref<80xi32, #tpu.memory_space<vmem>>
        %dma_wait3A_126 = arith.constant 0 : i32
        %dma_wait3A_127 = arith.constant 0 : i32
        %dma_wait3A_128 = tpu.memref_slice %arg11[%dma_wait3A_126, %dma_wait3A_127] : memref<10000x128xf32, #tpu.memory_space<vmem_shared>> -> memref<10000x128xf32, #tpu.memory_space<vmem_shared>>
        tpu.wait_indirect_dma semaphore(%run_scoped3A : memref<!tpu.dma_semaphore, #tpu.memory_space<semaphore_mem>>) src(%arg10 : memref<80x128xf32, #tpu.memory_space<vmem>>) dst(%dma_wait3A_128 : memref<10000x128xf32, #tpu.memory_space<vmem_shared>>)
        tpu.yield
      }) : () -> ()
      %add3A_114 = arith.constant 3 : i32
      %add3A_115 = arith.addi %add3A_104, %add3A_114 : i32
      %lt3A_116 = arith.constant 125 : i32
      %lt3A_117 = arith.cmpi slt, %add3A_115, %lt3A_116 : i32
      %convert_element_type3A_118 = arith.extui %lt3A_117 : i1 to i32
      %cond3A_119 = arith.constant 0 : i32
      %cond3A_120 = arith.cmpi ne, %convert_element_type3A_118, %cond3A_119 : i32
      scf.if %cond3A_120 {
        %add3A_121 = arith.constant 3 : i32
        %add3A_122 = arith.addi %add3A_104, %add3A_121 : i32
        %mul3A_123 = arith.constant 80 : i32
        %mul3A_124 = arith.muli %add3A_122, %mul3A_123 : i32
        %multiple_of3A_125 = tpu.assume_multiple %mul3A_124, 8 : i32
        %dma_start3A_126 = tpu.memref_slice %arg6[%multiple_of3A_125] : memref<10000xi32, #tpu.memory_space<vmem>> -> memref<80xi32, #tpu.memory_space<vmem>>
        %dma_start3A_127 = arith.constant 0 : i32
        %dma_start3A_128 = arith.constant 0 : i32
        %dma_start3A_129 = tpu.memref_slice %arg4[%dma_start3A_127, %dma_start3A_128] : memref<10000x128xf32, #tpu.memory_space<hbm>> -> memref<10000x128xf32, #tpu.memory_space<hbm>>
        tpu.enqueue_indirect_dma source(%dma_start3A_129 : memref<10000x128xf32, #tpu.memory_space<hbm>>) target(%arg10 : memref<80x128xf32, #tpu.memory_space<vmem>>) offsets(%dma_start3A_126 : memref<80xi32, #tpu.memory_space<vmem>>) semaphore(%arg14 : memref<!tpu.dma_semaphore, #tpu.memory_space<semaphore_mem>>)
      } else {
      }
    }
    %scan3A_42 = arith.constant 41 : i32
    %multiple_of3A_43 = arith.constant 0 : i32
    %multiple_of3A_44 = tpu.assume_multiple %multiple_of3A_43, 8 : i32
    %dma_wait3A_45 = tpu.memref_slice %arg6[%multiple_of3A_44] : memref<10000xi32, #tpu.memory_space<vmem>> -> memref<80xi32, #tpu.memory_space<vmem>>
    %dma_wait3A_46 = arith.constant 0 : i32
    %dma_wait3A_47 = arith.constant 0 : i32
    %dma_wait3A_48 = tpu.memref_slice %arg4[%dma_wait3A_46, %dma_wait3A_47] : memref<10000x128xf32, #tpu.memory_space<hbm>> -> memref<10000x128xf32, #tpu.memory_space<hbm>>
    tpu.wait_indirect_dma semaphore(%arg12 : memref<!tpu.dma_semaphore, #tpu.memory_space<semaphore_mem>>) src(%dma_wait3A_48 : memref<10000x128xf32, #tpu.memory_space<hbm>>) dst(%arg8 : memref<80x128xf32, #tpu.memory_space<vmem>>)
    %multiple_of3A_49 = arith.constant 9840 : i32
    %multiple_of3A_50 = tpu.assume_multiple %multiple_of3A_49, 8 : i32
    "tpu.region"() ({
      %run_scoped3A = tpu.sem_alloc : memref<!tpu.dma_semaphore, #tpu.memory_space<semaphore_mem>>
      %dma_start3A_65 = tpu.memref_slice %arg7[%multiple_of3A_50] : memref<10000xi32, #tpu.memory_space<vmem>> -> memref<80xi32, #tpu.memory_space<vmem>>
      %dma_start3A_66 = arith.constant 0 : i32
      %dma_start3A_67 = arith.constant 0 : i32
      %dma_start3A_68 = tpu.memref_slice %arg11[%dma_start3A_66, %dma_start3A_67] : memref<10000x128xf32, #tpu.memory_space<vmem_shared>> -> memref<10000x128xf32, #tpu.memory_space<vmem_shared>>
      tpu.enqueue_indirect_dma source(%arg8 : memref<80x128xf32, #tpu.memory_space<vmem>>) target(%dma_start3A_68 : memref<10000x128xf32, #tpu.memory_space<vmem_shared>>) offsets(%dma_start3A_65 : memref<80xi32, #tpu.memory_space<vmem>>) semaphore(%run_scoped3A : memref<!tpu.dma_semaphore, #tpu.memory_space<semaphore_mem>>) {add = true}
      %dma_wait3A_69 = tpu.memref_slice %arg7[%multiple_of3A_50] : memref<10000xi32, #tpu.memory_space<vmem>> -> memref<80xi32, #tpu.memory_space<vmem>>
      %dma_wait3A_70 = arith.constant 0 : i32
      %dma_wait3A_71 = arith.constant 0 : i32
      %dma_wait3A_72 = tpu.memref_slice %arg11[%dma_wait3A_70, %dma_wait3A_71] : memref<10000x128xf32, #tpu.memory_space<vmem_shared>> -> memref<10000x128xf32, #tpu.memory_space<vmem_shared>>
      tpu.wait_indirect_dma semaphore(%run_scoped3A : memref<!tpu.dma_semaphore, #tpu.memory_space<semaphore_mem>>) src(%arg8 : memref<80x128xf32, #tpu.memory_space<vmem>>) dst(%dma_wait3A_72 : memref<10000x128xf32, #tpu.memory_space<vmem_shared>>)
      tpu.yield
    }) : () -> ()
    %multiple_of3A_51 = arith.constant 0 : i32
    %multiple_of3A_52 = tpu.assume_multiple %multiple_of3A_51, 8 : i32
    %dma_wait3A_53 = tpu.memref_slice %arg6[%multiple_of3A_52] : memref<10000xi32, #tpu.memory_space<vmem>> -> memref<80xi32, #tpu.memory_space<vmem>>
    %dma_wait3A_54 = arith.constant 0 : i32
    %dma_wait3A_55 = arith.constant 0 : i32
    %dma_wait3A_56 = tpu.memref_slice %arg4[%dma_wait3A_54, %dma_wait3A_55] : memref<10000x128xf32, #tpu.memory_space<hbm>> -> memref<10000x128xf32, #tpu.memory_space<hbm>>
    tpu.wait_indirect_dma semaphore(%arg13 : memref<!tpu.dma_semaphore, #tpu.memory_space<semaphore_mem>>) src(%dma_wait3A_56 : memref<10000x128xf32, #tpu.memory_space<hbm>>) dst(%arg9 : memref<80x128xf32, #tpu.memory_space<vmem>>)
    %multiple_of3A_57 = arith.constant 9920 : i32
    %multiple_of3A_58 = tpu.assume_multiple %multiple_of3A_57, 8 : i32
    "tpu.region"() ({
      %run_scoped3A = tpu.sem_alloc : memref<!tpu.dma_semaphore, #tpu.memory_space<semaphore_mem>>
      %dma_start3A_65 = tpu.memref_slice %arg7[%multiple_of3A_58] : memref<10000xi32, #tpu.memory_space<vmem>> -> memref<80xi32, #tpu.memory_space<vmem>>
      %dma_start3A_66 = arith.constant 0 : i32
      %dma_start3A_67 = arith.constant 0 : i32
      %dma_start3A_68 = tpu.memref_slice %arg11[%dma_start3A_66, %dma_start3A_67] : memref<10000x128xf32, #tpu.memory_space<vmem_shared>> -> memref<10000x128xf32, #tpu.memory_space<vmem_shared>>
      tpu.enqueue_indirect_dma source(%arg9 : memref<80x128xf32, #tpu.memory_space<vmem>>) target(%dma_start3A_68 : memref<10000x128xf32, #tpu.memory_space<vmem_shared>>) offsets(%dma_start3A_65 : memref<80xi32, #tpu.memory_space<vmem>>) semaphore(%run_scoped3A : memref<!tpu.dma_semaphore, #tpu.memory_space<semaphore_mem>>) {add = true}
      %dma_wait3A_69 = tpu.memref_slice %arg7[%multiple_of3A_58] : memref<10000xi32, #tpu.memory_space<vmem>> -> memref<80xi32, #tpu.memory_space<vmem>>
      %dma_wait3A_70 = arith.constant 0 : i32
      %dma_wait3A_71 = arith.constant 0 : i32
      %dma_wait3A_72 = tpu.memref_slice %arg11[%dma_wait3A_70, %dma_wait3A_71] : memref<10000x128xf32, #tpu.memory_space<vmem_shared>> -> memref<10000x128xf32, #tpu.memory_space<vmem_shared>>
      tpu.wait_indirect_dma semaphore(%run_scoped3A : memref<!tpu.dma_semaphore, #tpu.memory_space<semaphore_mem>>) src(%arg9 : memref<80x128xf32, #tpu.memory_space<vmem>>) dst(%dma_wait3A_72 : memref<10000x128xf32, #tpu.memory_space<vmem_shared>>)
      tpu.yield
    }) : () -> ()
    %barrier3A_59 = arith.constant 0 : index
    tpu.barrier barrier_id(%barrier3A_59)
    "tpu.region"() ({
      %run_scoped3A = tpu.sem_alloc : memref<!tpu.dma_semaphore, #tpu.memory_space<semaphore_mem>>
      %dma_start3A_65 = arith.constant 0 : i32
      %dma_start3A_66 = tpu.memref_slice %arg5[%arg0, %mul3A_4, %dma_start3A_65] : memref<2x10000x128xf32, #tpu.memory_space<hbm>> -> memref<1x624x128xf32, #tpu.memory_space<hbm>>
      %dma_start3A_67 = tpu.memref_squeeze %dma_start3A_66 : memref<1x624x128xf32, #tpu.memory_space<hbm>> -> memref<624x128xf32, #tpu.memory_space<hbm>>
      %dma_start3A_68 = arith.constant 0 : i32
      %dma_start3A_69 = tpu.memref_slice %arg11[%mul3A_4, %dma_start3A_68] : memref<10000x128xf32, #tpu.memory_space<vmem_shared>> -> memref<624x128xf32, #tpu.memory_space<vmem_shared>>
      tpu.enqueue_dma source(%dma_start3A_69 : memref<624x128xf32, #tpu.memory_space<vmem_shared>>) target(%dma_start3A_67 : memref<624x128xf32, #tpu.memory_space<hbm>>) target_semaphore(%run_scoped3A : memref<!tpu.dma_semaphore, #tpu.memory_space<semaphore_mem>>)
      %dma_wait3A_70 = arith.constant 0 : i32
      %dma_wait3A_71 = tpu.memref_slice %arg5[%arg0, %mul3A_4, %dma_wait3A_70] : memref<2x10000x128xf32, #tpu.memory_space<hbm>> -> memref<1x624x128xf32, #tpu.memory_space<hbm>>
      %dma_wait3A_72 = tpu.memref_squeeze %dma_wait3A_71 : memref<1x624x128xf32, #tpu.memory_space<hbm>> -> memref<624x128xf32, #tpu.memory_space<hbm>>
      %dma_wait3A_73 = arith.constant 0 : i32
      %dma_wait3A_74 = tpu.memref_slice %arg11[%mul3A_4, %dma_wait3A_73] : memref<10000x128xf32, #tpu.memory_space<vmem_shared>> -> memref<624x128xf32, #tpu.memory_space<vmem_shared>>
      tpu.wait_dma2 semaphore(%run_scoped3A : memref<!tpu.dma_semaphore, #tpu.memory_space<semaphore_mem>>) src(%dma_wait3A_74 : memref<624x128xf32, #tpu.memory_space<vmem_shared>>) dst(%dma_wait3A_72 : memref<624x128xf32, #tpu.memory_space<hbm>>)
      tpu.yield
    }) : () -> ()
    %eq3A_60 = arith.constant 15 : i32
    %eq3A_61 = arith.cmpi eq, %arg1, %eq3A_60 : i32
    %convert_element_type3A_62 = arith.extui %eq3A_61 : i1 to i32
    %cond3A_63 = arith.constant 0 : i32
    %cond3A_64 = arith.cmpi ne, %convert_element_type3A_62, %cond3A_63 : i32
    scf.if %cond3A_64 {
      "tpu.region"() ({
        %run_scoped3A = tpu.sem_alloc : memref<!tpu.dma_semaphore, #tpu.memory_space<semaphore_mem>>
        %dma_start3A_65 = arith.constant 9984 : i32
        %dma_start3A_66 = arith.constant 0 : i32
        %dma_start3A_67 = tpu.memref_slice %arg5[%arg0, %dma_start3A_65, %dma_start3A_66] : memref<2x10000x128xf32, #tpu.memory_space<hbm>> -> memref<1x16x128xf32, #tpu.memory_space<hbm>>
        %dma_start3A_68 = tpu.memref_squeeze %dma_start3A_67 : memref<1x16x128xf32, #tpu.memory_space<hbm>> -> memref<16x128xf32, #tpu.memory_space<hbm>>
        %dma_start3A_69 = arith.constant 9984 : i32
        %dma_start3A_70 = arith.constant 0 : i32
        %dma_start3A_71 = tpu.memref_slice %arg11[%dma_start3A_69, %dma_start3A_70] : memref<10000x128xf32, #tpu.memory_space<vmem_shared>> -> memref<16x128xf32, #tpu.memory_space<vmem_shared>>
        tpu.enqueue_dma source(%dma_start3A_71 : memref<16x128xf32, #tpu.memory_space<vmem_shared>>) target(%dma_start3A_68 : memref<16x128xf32, #tpu.memory_space<hbm>>) target_semaphore(%run_scoped3A : memref<!tpu.dma_semaphore, #tpu.memory_space<semaphore_mem>>)
        %dma_wait3A_72 = arith.constant 9984 : i32
        %dma_wait3A_73 = arith.constant 0 : i32
        %dma_wait3A_74 = tpu.memref_slice %arg5[%arg0, %dma_wait3A_72, %dma_wait3A_73] : memref<2x10000x128xf32, #tpu.memory_space<hbm>> -> memref<1x16x128xf32, #tpu.memory_space<hbm>>
        %dma_wait3A_75 = tpu.memref_squeeze %dma_wait3A_74 : memref<1x16x128xf32, #tpu.memory_space<hbm>> -> memref<16x128xf32, #tpu.memory_space<hbm>>
        %dma_wait3A_76 = arith.constant 9984 : i32
        %dma_wait3A_77 = arith.constant 0 : i32
        %dma_wait3A_78 = tpu.memref_slice %arg11[%dma_wait3A_76, %dma_wait3A_77] : memref<10000x128xf32, #tpu.memory_space<vmem_shared>> -> memref<16x128xf32, #tpu.memory_space<vmem_shared>>
        tpu.wait_dma2 semaphore(%run_scoped3A : memref<!tpu.dma_semaphore, #tpu.memory_space<semaphore_mem>>) src(%dma_wait3A_78 : memref<16x128xf32, #tpu.memory_space<vmem_shared>>) dst(%dma_wait3A_75 : memref<16x128xf32, #tpu.memory_space<hbm>>)
        tpu.yield
      }) : () -> ()
    } else {
    }
    return
  }
}

module attributes {stable_mosaic.version = 14 : i64} {
  func.func @body(%arg0: i32, %arg1: memref<1000x128xf32, #tpu.memory_space<vmem>>, %arg2: memref<128x128xf32, #tpu.memory_space<vmem>>, %arg3: memref<1x128xf32, #tpu.memory_space<vmem>>, %arg4: memref<1000x128xf32, #tpu.memory_space<vmem>>) attributes {dimension_semantics = [#tpu.dimension_semantics<arbitrary>], iteration_bounds = array<i64: 10>, scalar_prefetch = 0 : i64, scratch_operands = 0 : i64, tpu.core_type = #tpu.core_type<tc>, window_params = [{transform_indices = @transform_0, window_bounds = array<i64: 1000, 128>}, {pipeline_mode = #tpu.pipeline_mode<synchronous>, transform_indices = @transform_1, window_bounds = array<i64: 128, 128>}, {pipeline_mode = #tpu.pipeline_mode<synchronous>, transform_indices = @transform_2, window_bounds = array<i64: 1, 128>}, {transform_indices = @transform_3, window_bounds = array<i64: 1000, 128>}]} {
    %get3A = arith.constant 0 : index
    %get3A_0 = arith.constant 0 : index
    %get3A_1 = vector.load %arg1[%get3A, %get3A_0] : memref<1000x128xf32, #tpu.memory_space<vmem>>, vector<1000x128xf32>
    %get3A_2 = arith.constant 0 : index
    %get3A_3 = arith.constant 0 : index
    %get3A_4 = vector.load %arg2[%get3A_2, %get3A_3] : memref<128x128xf32, #tpu.memory_space<vmem>>, vector<128x128xf32>
    %dot_general3A = arith.constant dense<0.000000e+00> : vector<1000x128xf32>
    %dot_general3A_5 = tpu.matmul %get3A_1, %get3A_4, %dot_general3A {dimension_numbers = #tpu.dot_dimension_numbers<[1], [0], [0], [1], [0, 0, 1, 1], [], []>, transpose_lhs_hint = false} : vector<1000x128xf32>, vector<128x128xf32>, vector<1000x128xf32> -> vector<1000x128xf32>
    %get3A_6 = arith.constant 0 : index
    %get3A_7 = arith.constant 0 : index
    %get3A_8 = vector.load %arg3[%get3A_6, %get3A_7] : memref<1x128xf32, #tpu.memory_space<vmem>>, vector<1x128xf32>
    %add3A = vector.broadcast %get3A_8 : vector<1x128xf32> to vector<1000x128xf32>
    %add3A_9 = arith.addf %dot_general3A_5, %add3A : vector<1000x128xf32>
    %swap3A = arith.constant 0 : index
    %swap3A_10 = arith.constant 0 : index
    %swap3A_11 = vector.load %arg4[%swap3A, %swap3A_10] : memref<1000x128xf32, #tpu.memory_space<vmem>>, vector<1000x128xf32>
    tpu.vector_store %arg4[%swap3A, %swap3A_10], %add3A_9 {strides = array<i32>} : memref<1000x128xf32, #tpu.memory_space<vmem>>, vector<1000x128xf32>,
    return
  }
  func.func @transform_0(%arg0: i32) -> (i32, i32) {
    %c0_i32 = arith.constant 0 : i32
    %c0_i32_0 = arith.constant 0 : i32
    return %arg0, %c0_i32 : i32, i32
  }
  func.func @transform_1(%arg0: i32) -> (i32, i32) {
    %c0_i32 = arith.constant 0 : i32
    %c0_i32_0 = arith.constant 0 : i32
    %c0_i32_1 = arith.constant 0 : i32
    return %c0_i32, %c0_i32_0 : i32, i32
  }
  func.func @transform_2(%arg0: i32) -> (i32, i32) {
    %c0_i32 = arith.constant 0 : i32
    %c0_i32_0 = arith.constant 0 : i32
    %c0_i32_1 = arith.constant 0 : i32
    return %c0_i32, %c0_i32_0 : i32, i32
  }
  func.func @transform_3(%arg0: i32) -> (i32, i32) {
    %c0_i32 = arith.constant 0 : i32
    %c0_i32_0 = arith.constant 0 : i32
    return %arg0, %c0_i32 : i32, i32
  }
}

module attributes {stable_mosaic.version = 14 : i64} {
  func.func @body(%arg0: i32, %arg1: memref<1000x128xf32, #tpu.memory_space<vmem>>, %arg2: memref<1000x128xf32, #tpu.memory_space<vmem>>, %arg3: memref<1000x128xf32, #tpu.memory_space<vmem>>, %arg4: memref<128x128xf32, #tpu.memory_space<vmem>>, %arg5: memref<1x128xf32, #tpu.memory_space<vmem>>, %arg6: memref<1000x128xf32, #tpu.memory_space<vmem>>) attributes {dimension_semantics = [#tpu.dimension_semantics<arbitrary>], iteration_bounds = array<i64: 10>, scalar_prefetch = 0 : i64, scratch_operands = 0 : i64, tpu.core_type = #tpu.core_type<tc>, window_params = [{transform_indices = @transform_0, window_bounds = array<i64: 1000, 128>}, {transform_indices = @transform_1, window_bounds = array<i64: 1000, 128>}, {transform_indices = @transform_2, window_bounds = array<i64: 1000, 128>}, {pipeline_mode = #tpu.pipeline_mode<synchronous>, transform_indices = @transform_3, window_bounds = array<i64: 128, 128>}, {pipeline_mode = #tpu.pipeline_mode<synchronous>, transform_indices = @transform_4, window_bounds = array<i64: 1, 128>}, {transform_indices = @transform_5, window_bounds = array<i64: 1000, 128>}]} {
    %get3A = arith.constant 0 : index
    %get3A_0 = arith.constant 0 : index
    %get3A_1 = vector.load %arg1[%get3A, %get3A_0] : memref<1000x128xf32, #tpu.memory_space<vmem>>, vector<1000x128xf32>
    %get3A_2 = arith.constant 0 : index
    %get3A_3 = arith.constant 0 : index
    %get3A_4 = vector.load %arg2[%get3A_2, %get3A_3] : memref<1000x128xf32, #tpu.memory_space<vmem>>, vector<1000x128xf32>
    %add3A = arith.addf %get3A_1, %get3A_4 : vector<1000x128xf32>
    %get3A_5 = arith.constant 0 : index
    %get3A_6 = arith.constant 0 : index
    %get3A_7 = vector.load %arg3[%get3A_5, %get3A_6] : memref<1000x128xf32, #tpu.memory_space<vmem>>, vector<1000x128xf32>
    %sub3A = arith.subf %add3A, %get3A_7 : vector<1000x128xf32>
    %max3A = arith.constant 0.000000e+00 : f32
    %max3A_8 = vector.broadcast %max3A : f32 to vector<1000x128xf32>
    %max3A_9 = arith.maximumf %sub3A, %max3A_8 : vector<1000x128xf32>
    %get3A_10 = arith.constant 0 : index
    %get3A_11 = arith.constant 0 : index
    %get3A_12 = vector.load %arg4[%get3A_10, %get3A_11] : memref<128x128xf32, #tpu.memory_space<vmem>>, vector<128x128xf32>
    %dot_general3A = arith.constant dense<0.000000e+00> : vector<1000x128xf32>
    %dot_general3A_13 = tpu.matmul %max3A_9, %get3A_12, %dot_general3A {dimension_numbers = #tpu.dot_dimension_numbers<[1], [0], [0], [1], [0, 0, 1, 1], [], []>, transpose_lhs_hint = false} : vector<1000x128xf32>, vector<128x128xf32>, vector<1000x128xf32> -> vector<1000x128xf32>
    %get3A_14 = arith.constant 0 : index
    %get3A_15 = arith.constant 0 : index
    %get3A_16 = vector.load %arg5[%get3A_14, %get3A_15] : memref<1x128xf32, #tpu.memory_space<vmem>>, vector<1x128xf32>
    %add3A_17 = vector.broadcast %get3A_16 : vector<1x128xf32> to vector<1000x128xf32>
    %add3A_18 = arith.addf %dot_general3A_13, %add3A_17 : vector<1000x128xf32>
    %swap3A = arith.constant 0 : index
    %swap3A_19 = arith.constant 0 : index
    %swap3A_20 = vector.load %arg6[%swap3A, %swap3A_19] : memref<1000x128xf32, #tpu.memory_space<vmem>>, vector<1000x128xf32>
    tpu.vector_store %arg6[%swap3A, %swap3A_19], %add3A_18 {strides = array<i32>} : memref<1000x128xf32, #tpu.memory_space<vmem>>, vector<1000x128xf32>,
    return
  }
  func.func @transform_0(%arg0: i32) -> (i32, i32) {
    %c0_i32 = arith.constant 0 : i32
    %c0_i32_0 = arith.constant 0 : i32
    return %arg0, %c0_i32 : i32, i32
  }
  func.func @transform_1(%arg0: i32) -> (i32, i32) {
    %c0_i32 = arith.constant 0 : i32
    %c0_i32_0 = arith.constant 0 : i32
    return %arg0, %c0_i32 : i32, i32
  }
  func.func @transform_2(%arg0: i32) -> (i32, i32) {
    %c0_i32 = arith.constant 0 : i32
    %c0_i32_0 = arith.constant 0 : i32
    return %arg0, %c0_i32 : i32, i32
  }
  func.func @transform_3(%arg0: i32) -> (i32, i32) {
    %c0_i32 = arith.constant 0 : i32
    %c0_i32_0 = arith.constant 0 : i32
    %c0_i32_1 = arith.constant 0 : i32
    return %c0_i32, %c0_i32_0 : i32, i32
  }
  func.func @transform_4(%arg0: i32) -> (i32, i32) {
    %c0_i32 = arith.constant 0 : i32
    %c0_i32_0 = arith.constant 0 : i32
    %c0_i32_1 = arith.constant 0 : i32
    return %c0_i32, %c0_i32_0 : i32, i32
  }
  func.func @transform_5(%arg0: i32) -> (i32, i32) {
    %c0_i32 = arith.constant 0 : i32
    %c0_i32_0 = arith.constant 0 : i32
    return %arg0, %c0_i32 : i32, i32
  }
}

module attributes {stable_mosaic.version = 14 : i64} {
  func.func @body(%arg0: i32, %arg1: memref<1000x128xf32, #tpu.memory_space<vmem>>, %arg2: memref<1000x128xf32, #tpu.memory_space<vmem>>, %arg3: memref<1000x128xf32, #tpu.memory_space<vmem>>, %arg4: memref<1000x128xf32, #tpu.memory_space<vmem>>) attributes {dimension_semantics = [#tpu.dimension_semantics<arbitrary>], iteration_bounds = array<i64: 10>, scalar_prefetch = 0 : i64, scratch_operands = 0 : i64, tpu.core_type = #tpu.core_type<tc>, window_params = [{transform_indices = @transform_0, window_bounds = array<i64: 1000, 128>}, {transform_indices = @transform_1, window_bounds = array<i64: 1000, 128>}, {transform_indices = @transform_2, window_bounds = array<i64: 1000, 128>}, {transform_indices = @transform_3, window_bounds = array<i64: 1000, 128>}]} {
    %get3A = arith.constant 0 : index
    %get3A_0 = arith.constant 0 : index
    %get3A_1 = vector.load %arg1[%get3A, %get3A_0] : memref<1000x128xf32, #tpu.memory_space<vmem>>, vector<1000x128xf32>
    %get3A_2 = arith.constant 0 : index
    %get3A_3 = arith.constant 0 : index
    %get3A_4 = vector.load %arg2[%get3A_2, %get3A_3] : memref<1000x128xf32, #tpu.memory_space<vmem>>, vector<1000x128xf32>
    %add3A = arith.addf %get3A_1, %get3A_4 : vector<1000x128xf32>
    %get3A_5 = arith.constant 0 : index
    %get3A_6 = arith.constant 0 : index
    %get3A_7 = vector.load %arg3[%get3A_5, %get3A_6] : memref<1000x128xf32, #tpu.memory_space<vmem>>, vector<1000x128xf32>
    %sub3A = arith.subf %add3A, %get3A_7 : vector<1000x128xf32>
    %max3A = arith.constant 0.000000e+00 : f32
    %max3A_8 = vector.broadcast %max3A : f32 to vector<1000x128xf32>
    %max3A_9 = arith.maximumf %sub3A, %max3A_8 : vector<1000x128xf32>
    %swap3A = arith.constant 0 : index
    %swap3A_10 = arith.constant 0 : index
    %swap3A_11 = vector.load %arg4[%swap3A, %swap3A_10] : memref<1000x128xf32, #tpu.memory_space<vmem>>, vector<1000x128xf32>
    tpu.vector_store %arg4[%swap3A, %swap3A_10], %max3A_9 {strides = array<i32>} : memref<1000x128xf32, #tpu.memory_space<vmem>>, vector<1000x128xf32>,
    return
  }
  func.func @transform_0(%arg0: i32) -> (i32, i32) {
    %c0_i32 = arith.constant 0 : i32
    %c0_i32_0 = arith.constant 0 : i32
    return %arg0, %c0_i32 : i32, i32
  }
  func.func @transform_1(%arg0: i32) -> (i32, i32) {
    %c0_i32 = arith.constant 0 : i32
    %c0_i32_0 = arith.constant 0 : i32
    return %arg0, %c0_i32 : i32, i32
  }
  func.func @transform_2(%arg0: i32) -> (i32, i32) {
    %c0_i32 = arith.constant 0 : i32
    %c0_i32_0 = arith.constant 0 : i32
    return %arg0, %c0_i32 : i32, i32
  }
  func.func @transform_3(%arg0: i32) -> (i32, i32) {
    %c0_i32 = arith.constant 0 : i32
    %c0_i32_0 = arith.constant 0 : i32
    return %arg0, %c0_i32 : i32, i32
  }
}

</mosaic_0001>

<sc_bundles>
// kernel: kernel.10.cloned.1.call-start
scs
__scs_entry_jumppad:
0x0: {  	(pc) =	sbr.rel $0x88, $3  }
0x1: {  	(tag) =	ssettag $0x0;
	lr =	simm.s32 $0x1  }
0x2: {  	[smem:$0x3F9B] =	sst lr;
	_ =	strace $0xD0000000  }
0x3: {  	_ = 	snop  }
0x4: {  	_ = 	snop  }
0x5: {  	_ = 	snop  }
0x6: {  	_ = 	snop  }
0x7: {  	_ = 	snop  }
__scs_overlays_trampoline_lowered:
0x8: {  	[smem:$0x3FAA] =	sst s0  }
0x9: {  	[smem:$0x3FAB] =	sst s1  }
0xa: {  	[smem:$0x3FAC] =	sst s2  }
0xb: {  	[smem:$0x3FAD] =	sst s3  }
0xc: {  	[smem:$0x3FAE] =	sst s4  }
0xd: {  	[smem:$0x3FAF] =	sst s5  }
0xe: {  	[smem:$0x3FB0] =	sst s6  }
0xf: {  	[smem:$0x3FB1] =	sst s7  }
0x10: {  	[smem:$0x3FB2] =	sst s8  }
0x11: {  	[smem:$0x3FB3] =	sst s9;
	s0 =	simm.s32 @!p0 $0x0  }
0x12: {  	s1 =	sld [smem:$0x3F99];
	s0 =	simm.s32 @p0 $0x1  }
0x13: {  	[smem:$0x3FB4] =	sst s0;
	s0 =	simm.s32 @!p1 $0x0  }
0x14: {  	s2 =	sld [smem:$0x3F98];
	s0 =	simm.s32 @p1 $0x1  }
0x15: {  	[smem:$0x3FB5] =	sst s0;
	s0 =	simm.s32 @!p2 $0x0  }
0x16: {  	s3 =	sld [smem:$0x3FDB];
	s0 =	simm.s32 @p2 $0x1  }
0x17: {  	s4 =	simm.s32 $0x1BF5;
	[smem:$0x3FB7] =	sst s0  }
0x18: {  	s0 =	sld [smem:$0x3F9A];
	_ =	swait.ge [sflag:s4], $0x0  }
0x19: {  	s7 =	sld [smem:$0x3F9B]  }
0x1a: {  	s8 =	sadd.s32 $0xFFFFE003, lr  }
0x1b: {  	s9 =	sadd.s32 $0xFFFFFEF7, lr;
	s5 =	simm.s32 $0xFFFFFFFF;
	p2 =	slt.u32 s8, $0xFFFFF086  }
0x1c: {  	p1 =	slt.u32 s9, $0xF7A;
	s5 =	simm.s32 @!p2 $0x0  }
0x1d: {  	s5 =	simm.s32 @p1 $0x1;
	p0 =	seq.s32 s7, s2  }
0x1e: {  	s7 =	smul.u32 @!p0 $0xF7A, s2;
	p2 =	seq.s32 @!p0 s5, $0x0  }
0x1f: {  	s9 =	smul.u32 $0xF7A, s1;
	s8 =	simm.s32 @!p0 $0x1BF5;
	p2 =	por !p2, p0  }
0x20: {  	[sflag:s8] =	ssyncset.s32 @!p0 $0xFFFFF086;
	s6 =	sadd.s32 @!p0 s3, s7;
	s7 =	simm.s32 @!p0 $0x108  }
0x21: {  	s3 =	sadd.s32 s3, s9;
	s6 =	sadd.s32 @!p0 $0x88, s6;
	s7 =	simm.s32 @p2 $0x1082  }
0x22: {  	[simem:s7], [sflag:s8] =	dma.local @!p0 [hbm:s6], $0xF7A  }
0x23: {  	s9 =	sor.u32 $0xD0000000, s2;
	s6 =	simm.s32 $0x108;
	_ =	swait.ge @!p0 [sflag:s8], $0x0  }
0x24: {  	s3 =	sadd.s32 $0x88, s3;
	s6 =	simm.s32 @!p1 $0x1082;
	[sflag:s4] =	ssyncset.s32 $0xFFFFF086  }
0x25: {  	[simem:s6], [sflag:s4] =	dma.local [hbm:s3], $0xF7A  }
0x26: {  	[smem:$0x3F9B] =	sst s1;
	(tag) =	ssettag s2;
	_ =	strace s9  }
0x27: {  	s1 =	sld [smem:$0x3FAB]  }
0x28: {  	s2 =	sld [smem:$0x3FAC]  }
0x29: {  	s4 =	sld [smem:$0x3FAE]  }
0x2a: {  	p0 =	seq.s32 s5, $0x0;
	s5 =	sld [smem:$0x3FAF]  }
0x2b: {  	s6 =	sld [smem:$0x3FB0]  }
0x2c: {  	s7 =	sld [smem:$0x3FB1]  }
0x2d: {  	s3 =	simm.s32 $0x108;
	s8 =	sld [smem:$0x3FB2]  }
0x2e: {  	s3 =	simm.s32 @!p0 $0x1082;
	s9 =	sld [smem:$0x3FB3]  }
0x2f: {  	lr =	sadd.s32 s0, s3;
	s0 =	sld [smem:$0x3FAA]  }
0x30: {  	s3 =	sld [smem:$0x3FAD]  }
0x31: {  	[smem:$0x3FB6] =	sst s10  }
0x32: {  	s10 =	sld [smem:$0x3FB4];
	_ =	sdelay $0x3  }
0x33: {  	p0 =	seq.s32 s10, $0x1;
	s10 =	sld [smem:$0x3FB6];
	_ =	sdelay $0x3  }
0x34: {  	[smem:$0x3FB6] =	sst s10  }
0x35: {  	s10 =	sld [smem:$0x3FB5];
	_ =	sdelay $0x3  }
0x36: {  	p1 =	seq.s32 s10, $0x1;
	s10 =	sld [smem:$0x3FB6];
	_ =	sdelay $0x3  }
0x37: {  	[smem:$0x3FB6] =	sst s10  }
0x38: {  	s10 =	sld [smem:$0x3FB7]  }
0x39: {  	_ = 	snop;
	(pc) =	sbr.ind lr, $3  }
0x3a: {  	_ = 	snop  }
0x3b: {  	_ = 	snop  }
0x3c: {  	p2 =	seq.s32 s10, $0x1;
	s10 =	sld [smem:$0x3FB6]  }
0x3d: {  	_ =	shalt  }
0x3e: {  	_ =	shalt  }
0x3f: {  	_ =	shalt  }
0x40: {  	_ =	shalt  }
0x41: {  	_ =	shalt  }
0x42: {  	_ =	shalt  }
0x43: {  	_ =	shalt  }
0x44: {  	_ =	shalt  }
0x45: {  	_ =	shalt  }
0x46: {  	_ =	shalt  }
0x47: {  	_ =	shalt  }
0x48: {  	_ =	shalt  }
0x49: {  	_ =	shalt  }
0x4a: {  	_ =	shalt  }
0x4b: {  	_ =	shalt  }
0x4c: {  	_ =	shalt  }
0x4d: {  	_ =	shalt  }
0x4e: {  	_ =	shalt  }
0x4f: {  	_ =	shalt  }
0x50: {  	_ =	shalt  }
0x51: {  	_ =	shalt  }
0x52: {  	_ =	shalt  }
0x53: {  	_ =	shalt  }
0x54: {  	_ =	shalt  }
0x55: {  	_ =	shalt  }
0x56: {  	_ =	shalt  }
0x57: {  	_ =	shalt  }
0x58: {  	_ =	shalt  }
0x59: {  	_ =	shalt  }
0x5a: {  	_ =	shalt  }
0x5b: {  	_ =	shalt  }
0x5c: {  	_ =	shalt  }
0x5d: {  	_ =	shalt  }
0x5e: {  	_ =	shalt  }
0x5f: {  	_ =	shalt  }
0x60: {  	_ =	shalt  }
0x61: {  	_ =	shalt  }
0x62: {  	_ =	shalt  }
0x63: {  	_ =	shalt  }
0x64: {  	_ =	shalt  }
0x65: {  	_ =	shalt  }
0x66: {  	_ =	shalt  }
0x67: {  	_ =	shalt  }
0x68: {  	_ =	shalt  }
0x69: {  	_ =	shalt  }
0x6a: {  	_ =	shalt  }
0x6b: {  	_ =	shalt  }
0x6c: {  	_ =	shalt  }
0x6d: {  	_ =	shalt  }
0x6e: {  	_ =	shalt  }
0x6f: {  	_ =	shalt  }
0x70: {  	_ =	shalt  }
0x71: {  	_ =	shalt  }
0x72: {  	_ =	shalt  }
0x73: {  	_ =	shalt  }
0x74: {  	_ =	shalt  }
0x75: {  	_ =	shalt  }
0x76: {  	_ =	shalt  }
0x77: {  	_ =	shalt  }
0x78: {  	_ =	shalt  }
0x79: {  	_ =	shalt  }
0x7a: {  	_ =	shalt  }
0x7b: {  	_ =	shalt  }
0x7c: {  	_ =	shalt  }
0x7d: {  	_ =	shalt  }
0x7e: {  	_ =	shalt  }
0x7f: {  	_ =	shalt  }
0x80: {  	_ =	shalt  }
0x81: {  	_ =	shalt  }
0x82: {  	_ =	shalt  }
0x83: {  	_ =	shalt  }
0x84: {  	_ =	shalt  }
0x85: {  	_ =	shalt  }
0x86: {  	_ =	shalt  }
0x87: {  	_ =	shalt  }
.Lfunc_end0:
.L_simem_size_0:
called_computation.1_lowered:
.L_overlay_start_0:
0x88: {  	s2 =	sld [smem:$0x3FD9]  }
0x89: {  	s3 =	sld [smem:$0x3FFE];
	_ =	sdelay $0x1  }
0x8a: {  	s1 =	srdreg.scid  }
0x8b: {  	s0 =	sand.u32 $0x1, s1  }
0x8c: {  	s17 =	sshll.u32 s0, $0xA;
	s2 =	sadd.s32 s3, s2  }
0x8d: {  	s2 =	sadd.s32 s2, s17  }
0x8e: {  	[smem:$0x3FC2] =	sst s2  }
0x8f: {  	_ = 	snop  }
0x90: {  	s2 =	sld [smem:$0x3FD0];
	(tm) =	ssettm $0x1  }
0x91: {  	s18 =	sld [smem:$0x3FFB];
	_ =	sdelay $0x3  }
0x92: {  	_ =	strace s18  }
0x93: {  	s3 =	sld [smem:$0x3FFC];
	_ =	sdelay $0x3  }
0x94: {  	_ =	strace s3  }
0x95: {  	s3 =	sld [smem:$0x3FFD];
	_ =	sdelay $0x3  }
0x96: {  	_ =	strace s3  }
0x97: {  	_ =	strace $0x8FFFFFFF  }
0x98: {  	s19 =	sld [smem:$0x3FDB];
	_ =	sdelay $0x1  }
0x99: {  	s4 =	simm.s32 $_scs_section_size  }
0x9a: {  	s5 =	simm.s32 $_size__tile_overlayer_lowered;
	s6 =	simm.s32 $_tile_overlayer_lowered  }
0x9b: {  	s22 =	simm.s32 $0x1BFF;
	s21 =	sshll.u32 s6, $0x1;
	s3 =	sadd.s32 s4, s19  }
0x9c: {  	s7 =	simm.s32 $0x0;
	s20 =	sshll.u32 s5, $0x1;
	s5 =	sadd.s32 s21, s3  }
0x9d: {  	[timem:s7], [sflag:s22] =	dma.local [hbm:s5], s20  }
0x9e: {  	_ =	swait.ge [sflag:s22], s20  }
0x9f: {  	s4 =	ssub.s32 $0x0, s20;
	[sflag:s22] =	ssyncset.done $0x0  }
0xa0: {  	[sflag:s22] =	ssyncadd.s32 s4;
	_ =	sdelay $0x1  }
0xa1: {  	s23 =	simm.s32 $0x1B8B  }
0xa2: {  	_ =	swait.ge [sflag:s23], $0x1  }
0xa3: {  	[sflag:s23] =	ssyncset.done $0x0  }
0xa4: {  	s25 =	simm.s32 $0x1B8E;
	s24 =	sld [smem:$0x3FFE];
	[sflag:s23] =	ssyncadd.s32 $0xFFFFFFFF  }
0xa5: {  	s26 =	simm.s32 $execute0_lowered;
	[smem:$0x3FD2] =	sst s25  }
0xa6: {  	s5 =	sshll.u32 s26, $0x1;
	_ =	strace $0x80000049;
	[dreg:$0x1] =	wrdreg $0xFFFFFFFF  }
0xa7: {  	s28 =	simm.s32 $_size_execute0_lowered;
	s3 =	sadd.s32 s3, s5;
	[dreg:$0x0] =	wrdreg $0x0  }
0xa8: {  	s5 =	sshll.u32 s28, $0x1;
	[dreg:$0x2] =	wrdreg s3  }
0xa9: {  	[dreg:$0x3] =	wrdreg s5  }
0xaa: {  	[dreg:$0x4] =	wrdreg $0xC0  }
0xab: {  	_ =	task [dreg:s7], $0x5FFFF  }
0xac: {  	[dreg:$0x1] =	wrdreg $0xFFFFFFFF  }
0xad: {  	[dreg:$0x0] =	wrdreg $0x60  }
0xae: {  	[dreg:$0x2] =	wrdreg s24  }
0xaf: {  	[dreg:$0x3] =	wrdreg s2  }
0xb0: {  	[dreg:$0x4] =	wrdreg $0xC7000  }
0xb1: {  	[dreg:$0x5] =	wrdreg $0x9  }
0xb2: {  	_ =	task.clear_ibuf [dreg:s7], $0x6FFFF;
	_ =	strace $0x90000049  }
0xb3: {  	s29 =	simm.s32 $0x9;
	_ =	strace $0x8000004B  }
0xb4: {  	_ =	swait.ge [sflag:s29], $0x1  }
0xb5: {  	[sflag:s29] =	ssyncadd.s32 $0xFFFFFFFF  }
0xb6: {  	_ =	strace $0x9000004B  }
0xb7: {  	_ =	sfence  }
0xb8: {  	s30 =	sld [smem:$0x0];
	_ =	sdelay $0x2  }
0xb9: {  	s31 =	sshll.u32 s1, $0xD;
	s1 =	sshrl.u32 s1, $0x2  }
0xba: {  	s3 =	sand.u32 $0x4000, s31;
	s1 =	sadd.s32 s1, s30  }
0xbb: {  	s0 =	sor.u32 s3, s0;
	s1 =	sshll.u32 s1, $0x11  }
0xbc: {  	s0 =	sor.u32 s1, s0  }
0xbd: {  	s0 =	sadd.s32 $0x8F2B, s0  }
0xbe: {  	[sflag:s0] =	ssyncadd.remote.s32 $0x1  }
0xbf: {  	_ =	sfence.sel $0xFFFF  }
0xc0: {  	[dreg:$0x0] =	wrdreg $0xFFFFFFFF;
	(pc) =	sbr.abs _section_cstart, $3  }
0xc1: {  	[dreg:$0x1] =	wrdreg $0xFFFFFFFF  }
0xc2: {  	_ =	task.clear_ibuf [dreg:s7], $0x2FFFF;
	_ =	strace $0x9FFFFFFF  }
0xc3: {  	(tm) =	ssettm $0x7FFFFFFF  }
tec
execute0_lowered:
.L_overlay_start_1:
0x0: {  	(tag) =	ssettag $0x1  }
0x1: {  	s0 =	rddreg [dreg:$0x0]  }
0x2: {  	s1 =	srdreg.scid;
	s2 =	rddreg [dreg:$0x1]  }
0x3: {  	s3 =	rddreg [dreg:$0x2];
	s15 =	stileid.u32;
	s4 =	simm.s32 $0x0  }
0x4: {  	s16 =	simm.s32 $0x1;
	s17 =	simm.s32 $0x50;
	s18 =	simm.s32 $0x4F00  }
0x5: {  	s20 =	simm.s32 $0x2;
	s21 =	simm.s32 $0x7700;
	s22 =	simm.s32 $0x3  }
0x6: {  	s24 =	simm.s32 $0x9F00;
	s25 =	simm.s32 $0x4;
	s29 =	simm.s32 $0x4D50  }
0x7: {  	s30 =	simm.s32 $0x26C0;
	s31 =	simm.s32 $0x4DA0;
	s8 =	smul.u32 $0x4E000, s15  }
0x8: {  	s1 =	sand.u32 $0x1, s1;
	[smem:$0x7FF] =	sst s4;
	s10 =	smul.u32 $0x13800, s15  }
0x9: {  	s19 =	sadd.s32 $0x138000, s3;
	p0 =	sne.s32 s15, $0xF;
	s5 =	sshll.u32 s1, $0x4  }
0xa: {  	_ =	strace $0x8000004A;
	s6 =	ssub.s32 $0x2, s1;
	s1 =	smul.u32 $0x138800, s1  }
0xb: {  	s19 =	sshrl.u32 @!p0 s19, $0x3;
	s5 =	sor.u32 s15, s5;
	s28 =	sshrl.u32 s6, $0x1  }
0xc: {  	s8 =	sshrl.u32 s8, $0x2;
	s9 =	sshrl.u32 s10, $0x3;
	s5 =	smul.u32 $0x4E2, s5  }
0xd: {  	s13 =	ssub.s32 s6, s28;
	s14 =	sadd.s32 s8, s3;
	s8 =	sadd.s32 s2, s9  }
0xe: {  	s11 =	sadd.s32 s10, s1;
	s1 =	sshrl.u32 s1, $0x3;
	s10 =	sadd.s32 $0x27000, s2  }
0xf: {  	s11 =	sshrl.u32 s11, $0x3;
	s13 =	smax.u32 s13, $0x1;
	s7 =	sadd.s32 s5, s0  }
0x10: {  	s0 =	sadd.s32 $0x15800, s0;
	s5 =	sadd.s32 $0xBA00, s7;
	s6 =	sadd.s32 $0x1C00, s7  }
0x11: {  	s7 =	sshll.u32 s15, $0x6;
	s1 =	sadd.s32 s0, s1;
	s11 =	sadd.s32 s0, s11  }
0x12: {  	s15 =	sshrl.u32 s14, $0x3;
	s0 =	simm.s32 $0x4DF0;
	s14 =	simm.s32 $0x0  }
0x13: {  	s9 =	sor.u32 $0x1C03, s7;
	s12 =	sadd.s32 $0x27000, s1;
	s1 =	simm.s32 $0x4E40  }
.LBB2_1:
0x14: {  	[tilespmem:s4], [sflag:$0x1] =	stream.linear.gather [hbm4b:s5+s4], $0x2710, $0x38;
	[tilespmem:$0x1FF80] =	vst v63  }
0x15: {  	s23 =	simm.s32 $0x2780  }
0x16: {  	[tilespmem:s23], [sflag:$0x2] =	stream.linear.gather [hbm4b:s6+s4], $0x2710, $0x38;
	[tilespmem:$0x1FF80] =	vst v63  }
0x17: {  	[spmem:s15], [sflag:s9] =	dma.local [hbm:s8], $0x2700  }
0x18: {  	_ =	swait.ge [sflag:s16], $0x2710  }
0x19: {  	[sflag:s16] =	ssyncset.done $0x0  }
0x1a: {  	s23 =	simm.s32 @!p0 $0x1FC4;
	[sflag:s16] =	ssyncadd.s32 $0xFFFFD8F0  }
0x1b: {  	[tilespmem:s18], [sflag:$0x1] =	stream.indirect.gather [hbm4b:s2+s17], $0x80, s4, s17, $0xb8;
	[tilespmem:$0x1FF80] =	vst v63  }
0x1c: {  	[spmem:s19], [sflag:s23] =	dma.local @!p0 [hbm:s10], $0x100  }
0x1d: {  	s23 =	simm.s32 @!p0 $0x4  }
0x1e: {  	_ =	swait.ge @!p0 [sflag:s23], $0x100  }
0x1f: {  	[sflag:s23] =	ssyncset.done @!p0 $0x0  }
0x20: {  	[sflag:s23] =	ssyncadd.s32 @!p0 $0xFFFFFF00  }
0x21: {  	_ =	swait.ge [sflag:s20], $0x2710  }
0x22: {  	[sflag:s20] =	ssyncset.done $0x0  }
0x23: {  	[sflag:s20] =	ssyncadd.s32 $0xFFFFD8F0  }
0x24: {  	[tilespmem:s21], [sflag:$0x2] =	stream.indirect.gather [hbm4b:s2+s17], $0x80, s17, s17, $0xb8;
	[tilespmem:$0x1FF80] =	vst v63  }
0x25: {  	_ =	swait.ge [sflag:s22], $0x2700  }
0x26: {  	[sflag:s22] =	ssyncset.done $0x0  }
0x27: {  	s26 =	simm.s32 $0xA0;
	[sflag:s22] =	ssyncadd.s32 $0xFFFFD900  }
0x28: {  	[tilespmem:s24], [sflag:$0x3] =	stream.indirect.gather [hbm4b:s2+s17], $0x80, s26, s17, $0xb8;
	[tilespmem:$0x1FF80] =	vst v63  }
0x29: {  	[bflag:$0x0] =	sbarrier.arrive $0xFFFF  }
0x2a: {  	_ =	swait.ge [sflag:s16], $0x2800  }
0x2b: {  	[sflag:s16] =	ssyncset.done $0x0  }
0x2c: {  	s28 =	simm.s32 $0x2780;
	[sflag:s16] =	ssyncadd.s32 $0xFFFFD800  }
0x2d: {  	[spmem:s3] =	stream.indirect.scatter.add.f32 [tilespmem:s18], [sflag:$0x4], $0x80, s28, s17, $0xb8;
	[tilespmem:$0x1FF80] =	vst v63  }
0x2e: {  	_ =	swait.ge [sflag:s25], $0x2800  }
0x2f: {  	[sflag:s25] =	ssyncset.done $0x0  }
0x30: {  	s26 =	simm.s32 $0xF0;
	[sflag:s25] =	ssyncadd.s32 $0xFFFFD800  }
0x31: {  	[tilespmem:s18], [sflag:$0x1] =	stream.indirect.gather [hbm4b:s2+s17], $0x80, s26, s17, $0xb8;
	[tilespmem:$0x1FF80] =	vst v63  }
0x32: {  	_ =	swait.ge [sflag:s20], $0x2800  }
0x33: {  	[sflag:s20] =	ssyncset.done $0x0  }
0x34: {  	s28 =	simm.s32 $0x27D0;
	[sflag:s20] =	ssyncadd.s32 $0xFFFFD800  }
0x35: {  	[spmem:s3] =	stream.indirect.scatter.add.f32 [tilespmem:s21], [sflag:$0x4], $0x80, s28, s17, $0xb8;
	[tilespmem:$0x1FF80] =	vst v63  }
0x36: {  	_ =	swait.ge [sflag:s25], $0x2800  }
0x37: {  	[sflag:s25] =	ssyncset.done $0x0  }
0x38: {  	s26 =	simm.s32 $0x140;
	[sflag:s25] =	ssyncadd.s32 $0xFFFFD800  }
0x39: {  	[tilespmem:s21], [sflag:$0x2] =	stream.indirect.gather [hbm4b:s2+s17], $0x80, s26, s17, $0xb8;
	[tilespmem:$0x1FF80] =	vst v63  }
0x3a: {  	_ =	swait.ge [sflag:s22], $0x2800  }
0x3b: {  	[sflag:s22] =	ssyncset.done $0x0  }
0x3c: {  	s28 =	simm.s32 $0x2820;
	[sflag:s22] =	ssyncadd.s32 $0xFFFFD800  }
0x3d: {  	[spmem:s3] =	stream.indirect.scatter.add.f32 [tilespmem:s24], [sflag:$0x4], $0x80, s28, s17, $0xb8;
	[tilespmem:$0x1FF80] =	vst v63  }
0x3e: {  	_ =	swait.ge [sflag:s25], $0x2800  }
0x3f: {  	[sflag:s25] =	ssyncset.done $0x0  }
0x40: {  	s23 =	simm.s32 $0x3C0;
	s26 =	simm.s32 $0x190;
	[sflag:s25] =	ssyncadd.s32 $0xFFFFD800  }
.LBB2_2:
0x41: {  	[tilespmem:s24], [sflag:$0x3] =	stream.indirect.gather [hbm4b:s2+s17], $0x80, s26, s17, $0xb8;
	[tilespmem:$0x1FF80] =	vst v63  }
0x42: {  	s26 =	smov.u32 s23  }
0x43: {  	p1 =	sne.s32 s23, $0x9240;
	s23 =	sadd.s32 $0x3C0, s23;
	_ =	swait.ge [sflag:s16], $0x2800  }
0x44: {  	s26 =	sshra.s32 s26, $0x2;
	[sflag:s16] =	ssyncset.done $0x0  }
0x45: {  	s28 =	sadd.s32 $0x2780, s26;
	[sflag:s16] =	ssyncadd.s32 $0xFFFFD800  }
0x46: {  	[spmem:s3] =	stream.indirect.scatter.add.f32 [tilespmem:s18], [sflag:$0x4], $0x80, s28, s17, $0xb8;
	[tilespmem:$0x1FF80] =	vst v63  }
0x47: {  	_ =	swait.ge [sflag:s25], $0x2800  }
0x48: {  	[sflag:s25] =	ssyncset.done $0x0  }
0x49: {  	s28 =	sadd.s32 $0xF0, s26;
	[sflag:s25] =	ssyncadd.s32 $0xFFFFD800  }
0x4a: {  	[tilespmem:s18], [sflag:$0x1] =	stream.indirect.gather [hbm4b:s2+s17], $0x80, s28, s17, $0xb8;
	[tilespmem:$0x1FF80] =	vst v63  }
0x4b: {  	_ =	swait.ge [sflag:s20], $0x2800  }
0x4c: {  	[sflag:s20] =	ssyncset.done $0x0  }
0x4d: {  	s28 =	sadd.s32 $0x27D0, s26;
	[sflag:s20] =	ssyncadd.s32 $0xFFFFD800  }
0x4e: {  	[spmem:s3] =	stream.indirect.scatter.add.f32 [tilespmem:s21], [sflag:$0x4], $0x80, s28, s17, $0xb8;
	[tilespmem:$0x1FF80] =	vst v63  }
0x4f: {  	_ =	swait.ge [sflag:s25], $0x2800  }
0x50: {  	[sflag:s25] =	ssyncset.done $0x0  }
0x51: {  	s28 =	sadd.s32 $0x140, s26;
	[sflag:s25] =	ssyncadd.s32 $0xFFFFD800  }
0x52: {  	[tilespmem:s21], [sflag:$0x2] =	stream.indirect.gather [hbm4b:s2+s17], $0x80, s28, s17, $0xb8;
	[tilespmem:$0x1FF80] =	vst v63  }
0x53: {  	_ =	swait.ge [sflag:s22], $0x2800  }
0x54: {  	[sflag:s22] =	ssyncset.done $0x0  }
.Ltmp0:
0x55: {  	s28 =	sadd.s32 $0x2820, s26;
	[sflag:s22] =	ssyncadd.s32 $0xFFFFD800;
	(pc) =	sbr.rel @p1 .LBB2_2-.Ltmp0, $4  }
0x56: {  	[spmem:s3] =	stream.indirect.scatter.add.f32 [tilespmem:s24], [sflag:$0x4], $0x80, s28, s17, $0xb8;
	[tilespmem:$0x1FF80] =	vst v63  }
0x57: {  	_ =	swait.ge [sflag:s25], $0x2800  }
0x58: {  	[sflag:s25] =	ssyncset.done $0x0  }
0x59: {  	s26 =	sadd.s32 $0x190, s26;
	[sflag:s25] =	ssyncadd.s32 $0xFFFFD800  }
0x5a: {  	[tilespmem:s24], [sflag:$0x3] =	stream.indirect.gather [hbm4b:s2+s17], $0x80, s26, s17, $0xb8;
	[tilespmem:$0x1FF80] =	vst v63  }
0x5b: {  	_ =	swait.ge [sflag:s16], $0x2800  }
0x5c: {  	[sflag:s16] =	ssyncset.done $0x0  }
0x5d: {  	s23 =	simm.s32 $0x4D00;
	[sflag:s16] =	ssyncadd.s32 $0xFFFFD800  }
0x5e: {  	[spmem:s3] =	stream.indirect.scatter.add.f32 [tilespmem:s18], [sflag:$0x4], $0x80, s23, s17, $0xb8;
	[tilespmem:$0x1FF80] =	vst v63  }
0x5f: {  	_ =	swait.ge [sflag:s25], $0x2800  }
0x60: {  	[sflag:s25] =	ssyncset.done $0x0  }
0x61: {  	s28 =	simm.s32 $0x2670;
	[sflag:s25] =	ssyncadd.s32 $0xFFFFD800  }
0x62: {  	[tilespmem:s18], [sflag:$0x1] =	stream.indirect.gather [hbm4b:s2+s17], $0x80, s28, s17, $0xb8;
	[tilespmem:$0x1FF80] =	vst v63  }
0x63: {  	_ =	swait.ge [sflag:s20], $0x2800  }
0x64: {  	[sflag:s20] =	ssyncset.done $0x0  }
0x65: {  	[sflag:s20] =	ssyncadd.s32 $0xFFFFD800  }
0x66: {  	[spmem:s3] =	stream.indirect.scatter.add.f32 [tilespmem:s21], [sflag:$0x4], $0x80, s29, s17, $0xb8;
	[tilespmem:$0x1FF80] =	vst v63  }
0x67: {  	_ =	swait.ge [sflag:s25], $0x2800  }
0x68: {  	[sflag:s25] =	ssyncset.done $0x0  }
0x69: {  	[sflag:s25] =	ssyncadd.s32 $0xFFFFD800  }
0x6a: {  	[tilespmem:s21], [sflag:$0x2] =	stream.indirect.gather [hbm4b:s2+s17], $0x80, s30, s17, $0xb8;
	[tilespmem:$0x1FF80] =	vst v63  }
0x6b: {  	_ =	swait.ge [sflag:s22], $0x2800  }
0x6c: {  	[sflag:s22] =	ssyncset.done $0x0  }
0x6d: {  	[sflag:s22] =	ssyncadd.s32 $0xFFFFD800  }
0x6e: {  	[spmem:s3] =	stream.indirect.scatter.add.f32 [tilespmem:s24], [sflag:$0x4], $0x80, s31, s17, $0xb8;
	[tilespmem:$0x1FF80] =	vst v63  }
0x6f: {  	_ =	swait.ge [sflag:s25], $0x2800  }
0x70: {  	[sflag:s25] =	ssyncset.done $0x0  }
0x71: {  	[sflag:s25] =	ssyncadd.s32 $0xFFFFD800  }
0x72: {  	_ =	swait.ge [sflag:s16], $0x2800  }
0x73: {  	[sflag:s16] =	ssyncset.done $0x0  }
0x74: {  	[sflag:s16] =	ssyncadd.s32 $0xFFFFD800  }
0x75: {  	[spmem:s3] =	stream.indirect.scatter.add.f32 [tilespmem:s18], [sflag:$0x4], $0x80, s0, s17, $0xb8;
	[tilespmem:$0x1FF80] =	vst v63  }
0x76: {  	_ =	swait.ge [sflag:s25], $0x2800  }
0x77: {  	[sflag:s25] =	ssyncset.done $0x0  }
0x78: {  	[sflag:s25] =	ssyncadd.s32 $0xFFFFD800  }
0x79: {  	_ =	swait.ge [sflag:s20], $0x2800  }
0x7a: {  	[sflag:s20] =	ssyncset.done $0x0  }
0x7b: {  	[sflag:s20] =	ssyncadd.s32 $0xFFFFD800  }
0x7c: {  	[spmem:s3] =	stream.indirect.scatter.add.f32 [tilespmem:s21], [sflag:$0x4], $0x80, s1, s17, $0xb8;
	[tilespmem:$0x1FF80] =	vst v63  }
0x7d: {  	_ =	swait.ge [sflag:s25], $0x2800  }
0x7e: {  	[sflag:s25] =	ssyncset.done $0x0  }
0x7f: {  	[sflag:s25] =	ssyncadd.s32 $0xFFFFD800  }
0x80: {  	s23 =	sor.u32 $0x1C04, s7;
	[bflag:$0x0] =	sbarrier.arrive $0xFFFF  }
0x81: {  	[hbm:s11], [sflag:s23] =	dma.local [spmem:s15], $0x2700  }
0x82: {  	_ =	swait.ge [sflag:s25], $0x2700  }
0x83: {  	s14 =	sadd.s32 $0x1, s14;
	[sflag:s25] =	ssyncset.done $0x0  }
0x84: {  	p1 =	sne.s32 s14, s13;
	[sflag:s25] =	ssyncadd.s32 $0xFFFFD900  }
0x85: {  	[hbm:s12], [sflag:s23] =	dma.local @!p0 [spmem:s19], $0x100  }
.Ltmp1:
0x86: {  	_ = 	snop;
	(pc) =	sbr.rel @p1 .LBB2_1-.Ltmp1, $4  }
0x87: {  	s23 =	simm.s32 @!p0 $0x4  }
0x88: {  	_ =	swait.ge @!p0 [sflag:s23], $0x100  }
0x89: {  	[sflag:s23] =	ssyncset.done @!p0 $0x0  }
0x8a: {  	[sflag:s23] =	ssyncadd.s32 @!p0 $0xFFFFFF00  }
0x8b: {  	_ =	sfence.sel $0x180000  }
0x8c: {  	[bflag:$0x0] =	sbarrier.arrive $0xFFFF  }
0x8d: {  	_ =	strace $0x9000004A  }
0x8e: {  	s0 =	stileid.u32;
	[bflag:$0x2] =	sbarrier.arrive $0xFFFF  }
0x8f: {  	p0 =	sne.s32 s0, $0x0;
	s0 =	rddreg [dreg:$0x3]  }
0x90: {  	s0 =	sadd.s32 @!p0 $0x100000, s0  }
0x91: {  	[sflag:s0] =	ssyncadd.tile.s32 @!p0 $0x1;
	_ =	shalt  }
.Lfunc_end2:
_tile_overlayer_lowered:
.L_overlay_start_2:
0x92: {  	(tag) =	ssettag $0x2  }
0x93: {  	s0 =	rddreg [dreg:$0x0];
	s2 =	stileid.u32  }
0x94: {  	s1 =	rddreg [dreg:$0x1];
	p0 =	sne.s32 s2, $0x0  }
0x95: {  	s3 =	rddreg [dreg:$0x2];
	[bflag:$0x3] =	sbarrier.arrive $0xFFFF;
	s2 =	simm.s32 @!p0 $0x1C04  }
0x96: {  	[timem:s3], [sflag:s2] =	dma.local @!p0 [hbm:s0], s1  }
0x97: {  	s0 =	simm.s32 @!p0 $0x4  }
0x98: {  	_ =	swait.ge @!p0 [sflag:s0], s1  }
0x99: {  	s1 =	ssub.s32 @!p0 $0x0, s1;
	[sflag:s0] =	ssyncset.done @!p0 $0x0  }
0x9a: {  	[sflag:s0] =	ssyncadd.s32 @!p0 s1  }
0x9b: {  	[bflag:$0x3] =	sbarrier.arrive $0xFFFF  }
0x9c: {  	_ =	shalt  }

// kernel: kernel.7.cloned.1.call-start
scs
__scs_entry_jumppad:
0x0: {  	(pc) =	sbr.rel $0x88, $3  }
0x1: {  	(tag) =	ssettag $0x0;
	lr =	simm.s32 $0x1  }
0x2: {  	[smem:$0x3F9B] =	sst lr;
	_ =	strace $0xD0000000  }
0x3: {  	_ = 	snop  }
0x4: {  	_ = 	snop  }
0x5: {  	_ = 	snop  }
0x6: {  	_ = 	snop  }
0x7: {  	_ = 	snop  }
__scs_overlays_trampoline_lowered:
0x8: {  	[smem:$0x3FAA] =	sst s0  }
0x9: {  	[smem:$0x3FAB] =	sst s1  }
0xa: {  	[smem:$0x3FAC] =	sst s2  }
0xb: {  	[smem:$0x3FAD] =	sst s3  }
0xc: {  	[smem:$0x3FAE] =	sst s4  }
0xd: {  	[smem:$0x3FAF] =	sst s5  }
0xe: {  	[smem:$0x3FB0] =	sst s6  }
0xf: {  	[smem:$0x3FB1] =	sst s7  }
0x10: {  	[smem:$0x3FB2] =	sst s8  }
0x11: {  	[smem:$0x3FB3] =	sst s9;
	s0 =	simm.s32 @!p0 $0x0  }
0x12: {  	s1 =	sld [smem:$0x3F99];
	s0 =	simm.s32 @p0 $0x1  }
0x13: {  	[smem:$0x3FB4] =	sst s0;
	s0 =	simm.s32 @!p1 $0x0  }
0x14: {  	s2 =	sld [smem:$0x3F98];
	s0 =	simm.s32 @p1 $0x1  }
0x15: {  	[smem:$0x3FB5] =	sst s0;
	s0 =	simm.s32 @!p2 $0x0  }
0x16: {  	s3 =	sld [smem:$0x3FDB];
	s0 =	simm.s32 @p2 $0x1  }
0x17: {  	s4 =	simm.s32 $0x1BF5;
	[smem:$0x3FB7] =	sst s0  }
0x18: {  	s0 =	sld [smem:$0x3F9A];
	_ =	swait.ge [sflag:s4], $0x0  }
0x19: {  	s7 =	sld [smem:$0x3F9B]  }
0x1a: {  	s8 =	sadd.s32 $0xFFFFE003, lr  }
0x1b: {  	s9 =	sadd.s32 $0xFFFFFEF7, lr;
	s5 =	simm.s32 $0xFFFFFFFF;
	p2 =	slt.u32 s8, $0xFFFFF086  }
0x1c: {  	p1 =	slt.u32 s9, $0xF7A;
	s5 =	simm.s32 @!p2 $0x0  }
0x1d: {  	s5 =	simm.s32 @p1 $0x1;
	p0 =	seq.s32 s7, s2  }
0x1e: {  	s7 =	smul.u32 @!p0 $0xF7A, s2;
	p2 =	seq.s32 @!p0 s5, $0x0  }
0x1f: {  	s9 =	smul.u32 $0xF7A, s1;
	s8 =	simm.s32 @!p0 $0x1BF5;
	p2 =	por !p2, p0  }
0x20: {  	[sflag:s8] =	ssyncset.s32 @!p0 $0xFFFFF086;
	s6 =	sadd.s32 @!p0 s3, s7;
	s7 =	simm.s32 @!p0 $0x108  }
0x21: {  	s3 =	sadd.s32 s3, s9;
	s6 =	sadd.s32 @!p0 $0x88, s6;
	s7 =	simm.s32 @p2 $0x1082  }
0x22: {  	[simem:s7], [sflag:s8] =	dma.local @!p0 [hbm:s6], $0xF7A  }
0x23: {  	s9 =	sor.u32 $0xD0000000, s2;
	s6 =	simm.s32 $0x108;
	_ =	swait.ge @!p0 [sflag:s8], $0x0  }
0x24: {  	s3 =	sadd.s32 $0x88, s3;
	s6 =	simm.s32 @!p1 $0x1082;
	[sflag:s4] =	ssyncset.s32 $0xFFFFF086  }
0x25: {  	[simem:s6], [sflag:s4] =	dma.local [hbm:s3], $0xF7A  }
0x26: {  	[smem:$0x3F9B] =	sst s1;
	(tag) =	ssettag s2;
	_ =	strace s9  }
0x27: {  	s1 =	sld [smem:$0x3FAB]  }
0x28: {  	s2 =	sld [smem:$0x3FAC]  }
0x29: {  	s4 =	sld [smem:$0x3FAE]  }
0x2a: {  	p0 =	seq.s32 s5, $0x0;
	s5 =	sld [smem:$0x3FAF]  }
0x2b: {  	s6 =	sld [smem:$0x3FB0]  }
0x2c: {  	s7 =	sld [smem:$0x3FB1]  }
0x2d: {  	s3 =	simm.s32 $0x108;
	s8 =	sld [smem:$0x3FB2]  }
0x2e: {  	s3 =	simm.s32 @!p0 $0x1082;
	s9 =	sld [smem:$0x3FB3]  }
0x2f: {  	lr =	sadd.s32 s0, s3;
	s0 =	sld [smem:$0x3FAA]  }
0x30: {  	s3 =	sld [smem:$0x3FAD]  }
0x31: {  	[smem:$0x3FB6] =	sst s10  }
0x32: {  	s10 =	sld [smem:$0x3FB4];
	_ =	sdelay $0x3  }
0x33: {  	p0 =	seq.s32 s10, $0x1;
	s10 =	sld [smem:$0x3FB6];
	_ =	sdelay $0x3  }
0x34: {  	[smem:$0x3FB6] =	sst s10  }
0x35: {  	s10 =	sld [smem:$0x3FB5];
	_ =	sdelay $0x3  }
0x36: {  	p1 =	seq.s32 s10, $0x1;
	s10 =	sld [smem:$0x3FB6];
	_ =	sdelay $0x3  }
0x37: {  	[smem:$0x3FB6] =	sst s10  }
0x38: {  	s10 =	sld [smem:$0x3FB7]  }
0x39: {  	_ = 	snop;
	(pc) =	sbr.ind lr, $3  }
0x3a: {  	_ = 	snop  }
0x3b: {  	_ = 	snop  }
0x3c: {  	p2 =	seq.s32 s10, $0x1;
	s10 =	sld [smem:$0x3FB6]  }
0x3d: {  	_ =	shalt  }
0x3e: {  	_ =	shalt  }
0x3f: {  	_ =	shalt  }
0x40: {  	_ =	shalt  }
0x41: {  	_ =	shalt  }
0x42: {  	_ =	shalt  }
0x43: {  	_ =	shalt  }
0x44: {  	_ =	shalt  }
0x45: {  	_ =	shalt  }
0x46: {  	_ =	shalt  }
0x47: {  	_ =	shalt  }
0x48: {  	_ =	shalt  }
0x49: {  	_ =	shalt  }
0x4a: {  	_ =	shalt  }
0x4b: {  	_ =	shalt  }
0x4c: {  	_ =	shalt  }
0x4d: {  	_ =	shalt  }
0x4e: {  	_ =	shalt  }
0x4f: {  	_ =	shalt  }
0x50: {  	_ =	shalt  }
0x51: {  	_ =	shalt  }
0x52: {  	_ =	shalt  }
0x53: {  	_ =	shalt  }
0x54: {  	_ =	shalt  }
0x55: {  	_ =	shalt  }
0x56: {  	_ =	shalt  }
0x57: {  	_ =	shalt  }
0x58: {  	_ =	shalt  }
0x59: {  	_ =	shalt  }
0x5a: {  	_ =	shalt  }
0x5b: {  	_ =	shalt  }
0x5c: {  	_ =	shalt  }
0x5d: {  	_ =	shalt  }
0x5e: {  	_ =	shalt  }
0x5f: {  	_ =	shalt  }
0x60: {  	_ =	shalt  }
0x61: {  	_ =	shalt  }
0x62: {  	_ =	shalt  }
0x63: {  	_ =	shalt  }
0x64: {  	_ =	shalt  }
0x65: {  	_ =	shalt  }
0x66: {  	_ =	shalt  }
0x67: {  	_ =	shalt  }
0x68: {  	_ =	shalt  }
0x69: {  	_ =	shalt  }
0x6a: {  	_ =	shalt  }
0x6b: {  	_ =	shalt  }
0x6c: {  	_ =	shalt  }
0x6d: {  	_ =	shalt  }
0x6e: {  	_ =	shalt  }
0x6f: {  	_ =	shalt  }
0x70: {  	_ =	shalt  }
0x71: {  	_ =	shalt  }
0x72: {  	_ =	shalt  }
0x73: {  	_ =	shalt  }
0x74: {  	_ =	shalt  }
0x75: {  	_ =	shalt  }
0x76: {  	_ =	shalt  }
0x77: {  	_ =	shalt  }
0x78: {  	_ =	shalt  }
0x79: {  	_ =	shalt  }
0x7a: {  	_ =	shalt  }
0x7b: {  	_ =	shalt  }
0x7c: {  	_ =	shalt  }
0x7d: {  	_ =	shalt  }
0x7e: {  	_ =	shalt  }
0x7f: {  	_ =	shalt  }
0x80: {  	_ =	shalt  }
0x81: {  	_ =	shalt  }
0x82: {  	_ =	shalt  }
0x83: {  	_ =	shalt  }
0x84: {  	_ =	shalt  }
0x85: {  	_ =	shalt  }
0x86: {  	_ =	shalt  }
0x87: {  	_ =	shalt  }
.Lfunc_end0:
.L_simem_size_0:
called_computation_lowered:
.L_overlay_start_0:
0x88: {  	s2 =	sld [smem:$0x3FD9]  }
0x89: {  	s3 =	sld [smem:$0x3FFE];
	_ =	sdelay $0x1  }
0x8a: {  	s1 =	srdreg.scid  }
0x8b: {  	s0 =	sand.u32 $0x1, s1  }
0x8c: {  	s17 =	sshll.u32 s0, $0xA;
	s2 =	sadd.s32 s3, s2  }
0x8d: {  	s2 =	sadd.s32 s2, s17  }
0x8e: {  	[smem:$0x3FC2] =	sst s2  }
0x8f: {  	_ = 	snop  }
0x90: {  	s2 =	sld [smem:$0x3FD0];
	(tm) =	ssettm $0x1  }
0x91: {  	s18 =	sld [smem:$0x3FFB];
	_ =	sdelay $0x3  }
0x92: {  	_ =	strace s18  }
0x93: {  	s3 =	sld [smem:$0x3FFC];
	_ =	sdelay $0x3  }
0x94: {  	_ =	strace s3  }
0x95: {  	s3 =	sld [smem:$0x3FFD];
	_ =	sdelay $0x3  }
0x96: {  	_ =	strace s3  }
0x97: {  	_ =	strace $0x8FFFFFFF  }
0x98: {  	s19 =	sld [smem:$0x3FDB];
	_ =	sdelay $0x1  }
0x99: {  	s4 =	simm.s32 $_scs_section_size  }
0x9a: {  	s5 =	simm.s32 $_size__tile_overlayer_lowered;
	s6 =	simm.s32 $_tile_overlayer_lowered  }
0x9b: {  	s22 =	simm.s32 $0x1BFF;
	s21 =	sshll.u32 s6, $0x1;
	s3 =	sadd.s32 s4, s19  }
0x9c: {  	s7 =	simm.s32 $0x0;
	s20 =	sshll.u32 s5, $0x1;
	s5 =	sadd.s32 s21, s3  }
0x9d: {  	[timem:s7], [sflag:s22] =	dma.local [hbm:s5], s20  }
0x9e: {  	_ =	swait.ge [sflag:s22], s20  }
0x9f: {  	s4 =	ssub.s32 $0x0, s20;
	[sflag:s22] =	ssyncset.done $0x0  }
0xa0: {  	[sflag:s22] =	ssyncadd.s32 s4;
	_ =	sdelay $0x1  }
0xa1: {  	s23 =	simm.s32 $0x1B8B  }
0xa2: {  	_ =	swait.ge [sflag:s23], $0x1  }
0xa3: {  	[sflag:s23] =	ssyncset.done $0x0  }
0xa4: {  	s25 =	simm.s32 $0x1B8E;
	s24 =	sld [smem:$0x3FFE];
	[sflag:s23] =	ssyncadd.s32 $0xFFFFFFFF  }
0xa5: {  	s26 =	simm.s32 $execute0_lowered;
	[smem:$0x3FD2] =	sst s25  }
0xa6: {  	s5 =	sshll.u32 s26, $0x1;
	_ =	strace $0x80000046;
	[dreg:$0x1] =	wrdreg $0xFFFFFFFF  }
0xa7: {  	s28 =	simm.s32 $_size_execute0_lowered;
	s3 =	sadd.s32 s3, s5;
	[dreg:$0x0] =	wrdreg $0x0  }
0xa8: {  	s5 =	sshll.u32 s28, $0x1;
	[dreg:$0x2] =	wrdreg s3  }
0xa9: {  	[dreg:$0x3] =	wrdreg s5  }
0xaa: {  	[dreg:$0x4] =	wrdreg $0xC0  }
0xab: {  	_ =	task [dreg:s7], $0x5FFFF  }
0xac: {  	[dreg:$0x1] =	wrdreg $0xFFFFFFFF  }
0xad: {  	[dreg:$0x0] =	wrdreg $0x60  }
0xae: {  	[dreg:$0x2] =	wrdreg s24  }
0xaf: {  	[dreg:$0x3] =	wrdreg s2  }
0xb0: {  	[dreg:$0x4] =	wrdreg $0xC7000  }
0xb1: {  	[dreg:$0x5] =	wrdreg $0x9  }
0xb2: {  	_ =	task.clear_ibuf [dreg:s7], $0x6FFFF;
	_ =	strace $0x90000046  }
0xb3: {  	s29 =	simm.s32 $0x9;
	_ =	strace $0x80000048  }
0xb4: {  	_ =	swait.ge [sflag:s29], $0x1  }
0xb5: {  	[sflag:s29] =	ssyncadd.s32 $0xFFFFFFFF  }
0xb6: {  	_ =	strace $0x90000048  }
0xb7: {  	_ =	sfence  }
0xb8: {  	s30 =	sld [smem:$0x0];
	_ =	sdelay $0x2  }
0xb9: {  	s31 =	sshll.u32 s1, $0xD;
	s1 =	sshrl.u32 s1, $0x2  }
0xba: {  	s3 =	sand.u32 $0x4000, s31;
	s1 =	sadd.s32 s1, s30  }
0xbb: {  	s0 =	sor.u32 s3, s0;
	s1 =	sshll.u32 s1, $0x11  }
0xbc: {  	s0 =	sor.u32 s1, s0  }
0xbd: {  	s0 =	sadd.s32 $0x8F2B, s0  }
0xbe: {  	[sflag:s0] =	ssyncadd.remote.s32 $0x1  }
0xbf: {  	_ =	sfence.sel $0xFFFF  }
0xc0: {  	[dreg:$0x0] =	wrdreg $0xFFFFFFFF;
	(pc) =	sbr.abs _section_cstart, $3  }
0xc1: {  	[dreg:$0x1] =	wrdreg $0xFFFFFFFF  }
0xc2: {  	_ =	task.clear_ibuf [dreg:s7], $0x2FFFF;
	_ =	strace $0x9FFFFFFF  }
0xc3: {  	(tm) =	ssettm $0x7FFFFFFF  }
tec
execute0_lowered:
.L_overlay_start_1:
0x0: {  	(tag) =	ssettag $0x1  }
0x1: {  	s0 =	rddreg [dreg:$0x0]  }
0x2: {  	s1 =	srdreg.scid;
	s2 =	rddreg [dreg:$0x1]  }
0x3: {  	s3 =	rddreg [dreg:$0x2];
	s15 =	stileid.u32;
	s4 =	simm.s32 $0x0  }
0x4: {  	s16 =	simm.s32 $0x1;
	s17 =	simm.s32 $0x50;
	s18 =	simm.s32 $0x4F00  }
0x5: {  	s20 =	simm.s32 $0x2;
	s21 =	simm.s32 $0x7700;
	s22 =	simm.s32 $0x3  }
0x6: {  	s24 =	simm.s32 $0x9F00;
	s25 =	simm.s32 $0x4;
	s29 =	simm.s32 $0x4D50  }
0x7: {  	s30 =	simm.s32 $0x26C0;
	s31 =	simm.s32 $0x4DA0;
	s8 =	smul.u32 $0x4E000, s15  }
0x8: {  	s1 =	sand.u32 $0x1, s1;
	[smem:$0x7FF] =	sst s4;
	s10 =	smul.u32 $0x13800, s15  }
0x9: {  	s19 =	sadd.s32 $0x138000, s3;
	p0 =	sne.s32 s15, $0xF;
	s5 =	sshll.u32 s1, $0x4  }
0xa: {  	_ =	strace $0x80000047;
	s6 =	ssub.s32 $0x2, s1;
	s1 =	smul.u32 $0x138800, s1  }
0xb: {  	s19 =	sshrl.u32 @!p0 s19, $0x3;
	s5 =	sor.u32 s15, s5;
	s28 =	sshrl.u32 s6, $0x1  }
0xc: {  	s8 =	sshrl.u32 s8, $0x2;
	s9 =	sshrl.u32 s10, $0x3;
	s5 =	smul.u32 $0x4E2, s5  }
0xd: {  	s13 =	ssub.s32 s6, s28;
	s14 =	sadd.s32 s8, s3;
	s8 =	sadd.s32 s2, s9  }
0xe: {  	s11 =	sadd.s32 s10, s1;
	s1 =	sshrl.u32 s1, $0x3;
	s10 =	sadd.s32 $0x27000, s2  }
0xf: {  	s11 =	sshrl.u32 s11, $0x3;
	s13 =	smax.u32 s13, $0x1;
	s7 =	sadd.s32 s5, s0  }
0x10: {  	s0 =	sadd.s32 $0x15800, s0;
	s5 =	sadd.s32 $0xBA00, s7;
	s6 =	sadd.s32 $0x1C00, s7  }
0x11: {  	s7 =	sshll.u32 s15, $0x6;
	s1 =	sadd.s32 s0, s1;
	s11 =	sadd.s32 s0, s11  }
0x12: {  	s15 =	sshrl.u32 s14, $0x3;
	s0 =	simm.s32 $0x4DF0;
	s14 =	simm.s32 $0x0  }
0x13: {  	s9 =	sor.u32 $0x1C03, s7;
	s12 =	sadd.s32 $0x27000, s1;
	s1 =	simm.s32 $0x4E40  }
.LBB2_1:
0x14: {  	[tilespmem:s4], [sflag:$0x1] =	stream.linear.gather [hbm4b:s5+s4], $0x2710, $0x38;
	[tilespmem:$0x1FF80] =	vst v63  }
0x15: {  	s23 =	simm.s32 $0x2780  }
0x16: {  	[tilespmem:s23], [sflag:$0x2] =	stream.linear.gather [hbm4b:s6+s4], $0x2710, $0x38;
	[tilespmem:$0x1FF80] =	vst v63  }
0x17: {  	[spmem:s15], [sflag:s9] =	dma.local [hbm:s8], $0x2700  }
0x18: {  	_ =	swait.ge [sflag:s16], $0x2710  }
0x19: {  	[sflag:s16] =	ssyncset.done $0x0  }
0x1a: {  	s23 =	simm.s32 @!p0 $0x1FC4;
	[sflag:s16] =	ssyncadd.s32 $0xFFFFD8F0  }
0x1b: {  	[tilespmem:s18], [sflag:$0x1] =	stream.indirect.gather [hbm4b:s2+s17], $0x80, s4, s17, $0xb8;
	[tilespmem:$0x1FF80] =	vst v63  }
0x1c: {  	[spmem:s19], [sflag:s23] =	dma.local @!p0 [hbm:s10], $0x100  }
0x1d: {  	s23 =	simm.s32 @!p0 $0x4  }
0x1e: {  	_ =	swait.ge @!p0 [sflag:s23], $0x100  }
0x1f: {  	[sflag:s23] =	ssyncset.done @!p0 $0x0  }
0x20: {  	[sflag:s23] =	ssyncadd.s32 @!p0 $0xFFFFFF00  }
0x21: {  	_ =	swait.ge [sflag:s20], $0x2710  }
0x22: {  	[sflag:s20] =	ssyncset.done $0x0  }
0x23: {  	[sflag:s20] =	ssyncadd.s32 $0xFFFFD8F0  }
0x24: {  	[tilespmem:s21], [sflag:$0x2] =	stream.indirect.gather [hbm4b:s2+s17], $0x80, s17, s17, $0xb8;
	[tilespmem:$0x1FF80] =	vst v63  }
0x25: {  	_ =	swait.ge [sflag:s22], $0x2700  }
0x26: {  	[sflag:s22] =	ssyncset.done $0x0  }
0x27: {  	s26 =	simm.s32 $0xA0;
	[sflag:s22] =	ssyncadd.s32 $0xFFFFD900  }
0x28: {  	[tilespmem:s24], [sflag:$0x3] =	stream.indirect.gather [hbm4b:s2+s17], $0x80, s26, s17, $0xb8;
	[tilespmem:$0x1FF80] =	vst v63  }
0x29: {  	[bflag:$0x0] =	sbarrier.arrive $0xFFFF  }
0x2a: {  	_ =	swait.ge [sflag:s16], $0x2800  }
0x2b: {  	[sflag:s16] =	ssyncset.done $0x0  }
0x2c: {  	s28 =	simm.s32 $0x2780;
	[sflag:s16] =	ssyncadd.s32 $0xFFFFD800  }
0x2d: {  	[spmem:s3] =	stream.indirect.scatter.add.f32 [tilespmem:s18], [sflag:$0x4], $0x80, s28, s17, $0xb8;
	[tilespmem:$0x1FF80] =	vst v63  }
0x2e: {  	_ =	swait.ge [sflag:s25], $0x2800  }
0x2f: {  	[sflag:s25] =	ssyncset.done $0x0  }
0x30: {  	s26 =	simm.s32 $0xF0;
	[sflag:s25] =	ssyncadd.s32 $0xFFFFD800  }
0x31: {  	[tilespmem:s18], [sflag:$0x1] =	stream.indirect.gather [hbm4b:s2+s17], $0x80, s26, s17, $0xb8;
	[tilespmem:$0x1FF80] =	vst v63  }
0x32: {  	_ =	swait.ge [sflag:s20], $0x2800  }
0x33: {  	[sflag:s20] =	ssyncset.done $0x0  }
0x34: {  	s28 =	simm.s32 $0x27D0;
	[sflag:s20] =	ssyncadd.s32 $0xFFFFD800  }
0x35: {  	[spmem:s3] =	stream.indirect.scatter.add.f32 [tilespmem:s21], [sflag:$0x4], $0x80, s28, s17, $0xb8;
	[tilespmem:$0x1FF80] =	vst v63  }
0x36: {  	_ =	swait.ge [sflag:s25], $0x2800  }
0x37: {  	[sflag:s25] =	ssyncset.done $0x0  }
0x38: {  	s26 =	simm.s32 $0x140;
	[sflag:s25] =	ssyncadd.s32 $0xFFFFD800  }
0x39: {  	[tilespmem:s21], [sflag:$0x2] =	stream.indirect.gather [hbm4b:s2+s17], $0x80, s26, s17, $0xb8;
	[tilespmem:$0x1FF80] =	vst v63  }
0x3a: {  	_ =	swait.ge [sflag:s22], $0x2800  }
0x3b: {  	[sflag:s22] =	ssyncset.done $0x0  }
0x3c: {  	s28 =	simm.s32 $0x2820;
	[sflag:s22] =	ssyncadd.s32 $0xFFFFD800  }
0x3d: {  	[spmem:s3] =	stream.indirect.scatter.add.f32 [tilespmem:s24], [sflag:$0x4], $0x80, s28, s17, $0xb8;
	[tilespmem:$0x1FF80] =	vst v63  }
0x3e: {  	_ =	swait.ge [sflag:s25], $0x2800  }
0x3f: {  	[sflag:s25] =	ssyncset.done $0x0  }
0x40: {  	s23 =	simm.s32 $0x3C0;
	s26 =	simm.s32 $0x190;
	[sflag:s25] =	ssyncadd.s32 $0xFFFFD800  }
.LBB2_2:
0x41: {  	[tilespmem:s24], [sflag:$0x3] =	stream.indirect.gather [hbm4b:s2+s17], $0x80, s26, s17, $0xb8;
	[tilespmem:$0x1FF80] =	vst v63  }
0x42: {  	s26 =	smov.u32 s23  }
0x43: {  	p1 =	sne.s32 s23, $0x9240;
	s23 =	sadd.s32 $0x3C0, s23;
	_ =	swait.ge [sflag:s16], $0x2800  }
0x44: {  	s26 =	sshra.s32 s26, $0x2;
	[sflag:s16] =	ssyncset.done $0x0  }
0x45: {  	s28 =	sadd.s32 $0x2780, s26;
	[sflag:s16] =	ssyncadd.s32 $0xFFFFD800  }
0x46: {  	[spmem:s3] =	stream.indirect.scatter.add.f32 [tilespmem:s18], [sflag:$0x4], $0x80, s28, s17, $0xb8;
	[tilespmem:$0x1FF80] =	vst v63  }
0x47: {  	_ =	swait.ge [sflag:s25], $0x2800  }
0x48: {  	[sflag:s25] =	ssyncset.done $0x0  }
0x49: {  	s28 =	sadd.s32 $0xF0, s26;
	[sflag:s25] =	ssyncadd.s32 $0xFFFFD800  }
0x4a: {  	[tilespmem:s18], [sflag:$0x1] =	stream.indirect.gather [hbm4b:s2+s17], $0x80, s28, s17, $0xb8;
	[tilespmem:$0x1FF80] =	vst v63  }
0x4b: {  	_ =	swait.ge [sflag:s20], $0x2800  }
0x4c: {  	[sflag:s20] =	ssyncset.done $0x0  }
0x4d: {  	s28 =	sadd.s32 $0x27D0, s26;
	[sflag:s20] =	ssyncadd.s32 $0xFFFFD800  }
0x4e: {  	[spmem:s3] =	stream.indirect.scatter.add.f32 [tilespmem:s21], [sflag:$0x4], $0x80, s28, s17, $0xb8;
	[tilespmem:$0x1FF80] =	vst v63  }
0x4f: {  	_ =	swait.ge [sflag:s25], $0x2800  }
0x50: {  	[sflag:s25] =	ssyncset.done $0x0  }
0x51: {  	s28 =	sadd.s32 $0x140, s26;
	[sflag:s25] =	ssyncadd.s32 $0xFFFFD800  }
0x52: {  	[tilespmem:s21], [sflag:$0x2] =	stream.indirect.gather [hbm4b:s2+s17], $0x80, s28, s17, $0xb8;
	[tilespmem:$0x1FF80] =	vst v63  }
0x53: {  	_ =	swait.ge [sflag:s22], $0x2800  }
0x54: {  	[sflag:s22] =	ssyncset.done $0x0  }
.Ltmp0:
0x55: {  	s28 =	sadd.s32 $0x2820, s26;
	[sflag:s22] =	ssyncadd.s32 $0xFFFFD800;
	(pc) =	sbr.rel @p1 .LBB2_2-.Ltmp0, $4  }
0x56: {  	[spmem:s3] =	stream.indirect.scatter.add.f32 [tilespmem:s24], [sflag:$0x4], $0x80, s28, s17, $0xb8;
	[tilespmem:$0x1FF80] =	vst v63  }
0x57: {  	_ =	swait.ge [sflag:s25], $0x2800  }
0x58: {  	[sflag:s25] =	ssyncset.done $0x0  }
0x59: {  	s26 =	sadd.s32 $0x190, s26;
	[sflag:s25] =	ssyncadd.s32 $0xFFFFD800  }
0x5a: {  	[tilespmem:s24], [sflag:$0x3] =	stream.indirect.gather [hbm4b:s2+s17], $0x80, s26, s17, $0xb8;
	[tilespmem:$0x1FF80] =	vst v63  }
0x5b: {  	_ =	swait.ge [sflag:s16], $0x2800  }
0x5c: {  	[sflag:s16] =	ssyncset.done $0x0  }
0x5d: {  	s23 =	simm.s32 $0x4D00;
	[sflag:s16] =	ssyncadd.s32 $0xFFFFD800  }
0x5e: {  	[spmem:s3] =	stream.indirect.scatter.add.f32 [tilespmem:s18], [sflag:$0x4], $0x80, s23, s17, $0xb8;
	[tilespmem:$0x1FF80] =	vst v63  }
0x5f: {  	_ =	swait.ge [sflag:s25], $0x2800  }
0x60: {  	[sflag:s25] =	ssyncset.done $0x0  }
0x61: {  	s28 =	simm.s32 $0x2670;
	[sflag:s25] =	ssyncadd.s32 $0xFFFFD800  }
0x62: {  	[tilespmem:s18], [sflag:$0x1] =	stream.indirect.gather [hbm4b:s2+s17], $0x80, s28, s17, $0xb8;
	[tilespmem:$0x1FF80] =	vst v63  }
0x63: {  	_ =	swait.ge [sflag:s20], $0x2800  }
0x64: {  	[sflag:s20] =	ssyncset.done $0x0  }
0x65: {  	[sflag:s20] =	ssyncadd.s32 $0xFFFFD800  }
0x66: {  	[spmem:s3] =	stream.indirect.scatter.add.f32 [tilespmem:s21], [sflag:$0x4], $0x80, s29, s17, $0xb8;
	[tilespmem:$0x1FF80] =	vst v63  }
0x67: {  	_ =	swait.ge [sflag:s25], $0x2800  }
0x68: {  	[sflag:s25] =	ssyncset.done $0x0  }
0x69: {  	[sflag:s25] =	ssyncadd.s32 $0xFFFFD800  }
0x6a: {  	[tilespmem:s21], [sflag:$0x2] =	stream.indirect.gather [hbm4b:s2+s17], $0x80, s30, s17, $0xb8;
	[tilespmem:$0x1FF80] =	vst v63  }
0x6b: {  	_ =	swait.ge [sflag:s22], $0x2800  }
0x6c: {  	[sflag:s22] =	ssyncset.done $0x0  }
0x6d: {  	[sflag:s22] =	ssyncadd.s32 $0xFFFFD800  }
0x6e: {  	[spmem:s3] =	stream.indirect.scatter.add.f32 [tilespmem:s24], [sflag:$0x4], $0x80, s31, s17, $0xb8;
	[tilespmem:$0x1FF80] =	vst v63  }
0x6f: {  	_ =	swait.ge [sflag:s25], $0x2800  }
0x70: {  	[sflag:s25] =	ssyncset.done $0x0  }
0x71: {  	[sflag:s25] =	ssyncadd.s32 $0xFFFFD800  }
0x72: {  	_ =	swait.ge [sflag:s16], $0x2800  }
0x73: {  	[sflag:s16] =	ssyncset.done $0x0  }
0x74: {  	[sflag:s16] =	ssyncadd.s32 $0xFFFFD800  }
0x75: {  	[spmem:s3] =	stream.indirect.scatter.add.f32 [tilespmem:s18], [sflag:$0x4], $0x80, s0, s17, $0xb8;
	[tilespmem:$0x1FF80] =	vst v63  }
0x76: {  	_ =	swait.ge [sflag:s25], $0x2800  }
0x77: {  	[sflag:s25] =	ssyncset.done $0x0  }
0x78: {  	[sflag:s25] =	ssyncadd.s32 $0xFFFFD800  }
0x79: {  	_ =	swait.ge [sflag:s20], $0x2800  }
0x7a: {  	[sflag:s20] =	ssyncset.done $0x0  }
0x7b: {  	[sflag:s20] =	ssyncadd.s32 $0xFFFFD800  }
0x7c: {  	[spmem:s3] =	stream.indirect.scatter.add.f32 [tilespmem:s21], [sflag:$0x4], $0x80, s1, s17, $0xb8;
	[tilespmem:$0x1FF80] =	vst v63  }
0x7d: {  	_ =	swait.ge [sflag:s25], $0x2800  }
0x7e: {  	[sflag:s25] =	ssyncset.done $0x0  }
0x7f: {  	[sflag:s25] =	ssyncadd.s32 $0xFFFFD800  }
0x80: {  	s23 =	sor.u32 $0x1C04, s7;
	[bflag:$0x0] =	sbarrier.arrive $0xFFFF  }
0x81: {  	[hbm:s11], [sflag:s23] =	dma.local [spmem:s15], $0x2700  }
0x82: {  	_ =	swait.ge [sflag:s25], $0x2700  }
0x83: {  	s14 =	sadd.s32 $0x1, s14;
	[sflag:s25] =	ssyncset.done $0x0  }
0x84: {  	p1 =	sne.s32 s14, s13;
	[sflag:s25] =	ssyncadd.s32 $0xFFFFD900  }
0x85: {  	[hbm:s12], [sflag:s23] =	dma.local @!p0 [spmem:s19], $0x100  }
.Ltmp1:
0x86: {  	_ = 	snop;
	(pc) =	sbr.rel @p1 .LBB2_1-.Ltmp1, $4  }
0x87: {  	s23 =	simm.s32 @!p0 $0x4  }
0x88: {  	_ =	swait.ge @!p0 [sflag:s23], $0x100  }
0x89: {  	[sflag:s23] =	ssyncset.done @!p0 $0x0  }
0x8a: {  	[sflag:s23] =	ssyncadd.s32 @!p0 $0xFFFFFF00  }
0x8b: {  	_ =	sfence.sel $0x180000  }
0x8c: {  	[bflag:$0x0] =	sbarrier.arrive $0xFFFF  }
0x8d: {  	_ =	strace $0x90000047  }
0x8e: {  	s0 =	stileid.u32;
	[bflag:$0x2] =	sbarrier.arrive $0xFFFF  }
0x8f: {  	p0 =	sne.s32 s0, $0x0;
	s0 =	rddreg [dreg:$0x3]  }
0x90: {  	s0 =	sadd.s32 @!p0 $0x100000, s0  }
0x91: {  	[sflag:s0] =	ssyncadd.tile.s32 @!p0 $0x1;
	_ =	shalt  }
.Lfunc_end2:
_tile_overlayer_lowered:
.L_overlay_start_2:
0x92: {  	(tag) =	ssettag $0x2  }
0x93: {  	s0 =	rddreg [dreg:$0x0];
	s2 =	stileid.u32  }
0x94: {  	s1 =	rddreg [dreg:$0x1];
	p0 =	sne.s32 s2, $0x0  }
0x95: {  	s3 =	rddreg [dreg:$0x2];
	[bflag:$0x3] =	sbarrier.arrive $0xFFFF;
	s2 =	simm.s32 @!p0 $0x1C04  }
0x96: {  	[timem:s3], [sflag:s2] =	dma.local @!p0 [hbm:s0], s1  }
0x97: {  	s0 =	simm.s32 @!p0 $0x4  }
0x98: {  	_ =	swait.ge @!p0 [sflag:s0], s1  }
0x99: {  	s1 =	ssub.s32 @!p0 $0x0, s1;
	[sflag:s0] =	ssyncset.done @!p0 $0x0  }
0x9a: {  	[sflag:s0] =	ssyncadd.s32 @!p0 s1  }
0x9b: {  	[bflag:$0x3] =	sbarrier.arrive $0xFFFF  }
0x9c: {  	_ =	shalt  }

</sc_bundles>
